<compile_context>
chip_gen: v7x
topology: tpu7x:2x2x1
jax: 0.10.2.dev20260603
libtpu: 0.0.44.dev20260713+nightly
codegen_flags: <defaults>
</compile_context>

<pallas_src>
import functools

import jax
import jax.numpy as jnp
from jax import lax
from jax.experimental import pallas as pl
from jax.experimental.pallas import tpu as pltpu
from jax.experimental.pallas import tpu_sc as plsc

GAMMA = 12.0
ADV_T = 1.0
NEG_RATIO = 16
DIM = 64
LANES = 16
CHUNK = 128


def _make_sc_partials(B, N, n_cores, n_subcores):
    nw = n_cores * n_subcores
    assert B % (nw * CHUNK) == 0, (B, nw, CHUNK)
    assert N % (nw * CHUNK) == 0, (N, nw, CHUNK)
    pcw = B // (nw * CHUNK)
    ncw = N // (nw * CHUNK)
    nrows = CHUNK // NEG_RATIO
    mesh = plsc.VectorSubcoreMesh(core_axis_name="c", subcore_axis_name="s")

    @functools.partial(
        pl.kernel,
        mesh=mesh,
        compiler_params=pltpu.CompilerParams(use_tc_tiling_on_sc=False),
        out_type=[
            jax.ShapeDtypeStruct((B, LANES), jnp.float32),
            jax.ShapeDtypeStruct((B, NEG_RATIO * LANES), jnp.float32),
        ],
        scratch_types=[
            pltpu.VMEM((CHUNK,), jnp.int32),
            pltpu.VMEM((CHUNK,), jnp.int32),
            pltpu.VMEM((CHUNK,), jnp.int32),
            pltpu.VMEM((CHUNK, DIM), jnp.float32),
            pltpu.VMEM((CHUNK, DIM), jnp.float32),
            pltpu.VMEM((CHUNK, DIM), jnp.float32),
            pltpu.VMEM((CHUNK, LANES), jnp.float32),
            pltpu.VMEM((CHUNK // NEG_RATIO, NEG_RATIO * LANES), jnp.float32),
            pltpu.SemaphoreType.DMA,
        ],
    )
    def sc_partials(ent, rel, hidx, ridx, tidx, out_pos, out_neg, hv, rv, tv,
                    hrows, rrows, trows, pparts_v, nparts_v, sem):
        wid = lax.axis_index("s") * n_cores + lax.axis_index("c")

        def gather_chunk(base):
            pltpu.sync_copy(hidx.at[pl.ds(base, CHUNK)], hv)
            pltpu.sync_copy(ridx.at[pl.ds(base, CHUNK)], rv)
            pltpu.sync_copy(tidx.at[pl.ds(base, CHUNK)], tv)
            d1 = pltpu.async_copy(ent.at[hv], hrows, sem)
            d2 = pltpu.async_copy(rel.at[rv], rrows, sem)
            d3 = pltpu.async_copy(ent.at[tv], trows, sem)
            d1.wait()
            d2.wait()
            d3.wait()

        def row_acc(i):
            acc = jnp.zeros((LANES,), jnp.float32)
            for c2 in range(DIM // LANES):
                hx = hrows[i, pl.ds(c2 * LANES, LANES)]
                rx = rrows[i, pl.ds(c2 * LANES, LANES)]
                tx = trows[i, pl.ds(c2 * LANES, LANES)]
                acc = acc + jnp.abs(hx + rx - tx)
            return acc

        def pos_chunk(p, carry):
            base = (wid * pcw + p) * CHUNK
            gather_chunk(base)

            def row_body(i, carry2):
                pparts_v[i, :] = row_acc(i)
                return carry2

            lax.fori_loop(0, CHUNK, row_body, 0)
            pltpu.sync_copy(pparts_v, out_pos.at[pl.ds(base, CHUNK)])
            return carry

        lax.fori_loop(0, pcw, pos_chunk, 0)

        def neg_chunk(c, carry):
            nchunk = wid * ncw + c
            gather_chunk(B + nchunk * CHUNK)

            def row_body(i, carry2):
                nparts_v[i // NEG_RATIO,
                         pl.ds((i % NEG_RATIO) * LANES, LANES)] = row_acc(i)
                return carry2

            lax.fori_loop(0, CHUNK, row_body, 0)
            pltpu.sync_copy(nparts_v, out_neg.at[pl.ds(nchunk * nrows, nrows)])
            return carry

        lax.fori_loop(0, ncw, neg_chunk, 0)

    return sc_partials


def _loss_body(pos_ref, neg_ref, out_ref):
    pos_parts = pos_ref[...]
    neg_parts = neg_ref[...]

    def lsig(x):
        return jnp.minimum(x, 0.0) - jnp.log(1.0 + jnp.exp(-jnp.abs(x)))

    pos = GAMMA - jnp.sum(pos_parts, axis=1)
    ii = lax.broadcasted_iota(jnp.int32, (NEG_RATIO * LANES, NEG_RATIO), 0)
    jj = lax.broadcasted_iota(jnp.int32, (NEG_RATIO * LANES, NEG_RATIO), 1)
    fold = jnp.where(ii // LANES == jj, 1.0, 0.0).astype(jnp.float32)
    neg = GAMMA - jnp.dot(neg_parts, fold,
                          preferred_element_type=jnp.float32)

    z = neg * ADV_T
    m = jnp.max(z, axis=1, keepdims=True)
    e = jnp.exp(z - m)
    w = e / jnp.sum(e, axis=1, keepdims=True)
    neg_terms = jnp.sum(w * lsig(-neg), axis=1)
    pos_loss = -jnp.sum(lsig(pos)) / pos.shape[0]
    neg_loss = -jnp.sum(neg_terms) / neg.shape[0]
    out_ref[0, 0] = (pos_loss + neg_loss) * 0.5


def kernel(px, nx, py, ny, entity_embedding, relation_embedding):
    B = px.shape[0]
    N = nx.shape[0]
    T = B + N
    h_idx = jnp.concatenate([px[:, 0], nx[:, 0]])
    r_idx = jnp.concatenate([px[:, 1], nx[:, 1]])
    t_idx = jnp.concatenate([px[:, 2], nx[:, 2]])

    info = plsc.get_sparse_core_info()
    sc_partials = _make_sc_partials(B, N, info.num_cores, info.num_subcores)
    pos_parts, neg_parts = sc_partials(entity_embedding, relation_embedding,
                                       h_idx, r_idx, t_idx)

    loss = pl.pallas_call(
        _loss_body,
        out_shape=jax.ShapeDtypeStruct((1, 1), jnp.float32),
        out_specs=pl.BlockSpec(memory_space=pltpu.SMEM),
    )(pos_parts, neg_parts)
    return loss[0, 0]

# --- scband reference (transcript-rebuilt; emitter-appended) ---
"""Pipeline reference for scband-trans-e-9732395892854 (READ-ONLY COPY).

The authoritative reference and input builder live on the scoring server;
editing this copy changes nothing except your own understanding.
"""

import jax, jax.numpy as jnp
import numpy as np

NENTITY = 1000000
DIM = 64
GAMMA = 12.0
ADV_T = 1.0
NEG_RATIO = 16
B = 4096

def setup_inputs(seed: int = 0) -> dict:
    key = jax.random.key(seed)
    k1, k2, k3, k4 = jax.random.split(key, 4)
    px = jax.random.randint(k1, (B, 3), 0, NENTITY, dtype=jnp.int32)
    nx = jax.random.randint(k2, (B * NEG_RATIO, 3), 0, NENTITY, dtype=jnp.int32)
    py = jnp.zeros((B,), dtype=jnp.int32)
    ny = jnp.zeros((B * NEG_RATIO,), dtype=jnp.int32)
    # xavier-uniform-ish init for the embedding tables
    bound = float(np.sqrt(6.0 / (NENTITY + DIM)))
    entity_embedding = jax.random.uniform(k3, (NENTITY, DIM), dtype=jnp.float32, minval=-bound, maxval=bound)
    relation_embedding = jax.random.uniform(k4, (NENTITY, DIM), dtype=jnp.float32, minval=-bound, maxval=bound)
    return {"px": px, "nx": nx, "py": py, "ny": ny,
            "entity_embedding": entity_embedding, "relation_embedding": relation_embedding}

def _calc(h, r, t):
    score = h + r - t
    return GAMMA - jnp.sum(jnp.abs(score), axis=1)

def reference(px, nx, py, ny, entity_embedding, relation_embedding):
    ph = jnp.take(entity_embedding, px[:, 0], axis=0)
    pr = jnp.take(relation_embedding, px[:, 1], axis=0)
    pt = jnp.take(entity_embedding, px[:, 2], axis=0)
    positive_score = _calc(ph, pr, pt)
    nh = jnp.take(entity_embedding, nx[:, 0], axis=0)
    nr = jnp.take(relation_embedding, nx[:, 1], axis=0)
    nt = jnp.take(entity_embedding, nx[:, 2], axis=0)
    negative_score = _calc(nh, nr, nt).reshape(-1, NEG_RATIO)
    # negative adversarial sampling (weights detached)
    w = jax.lax.stop_gradient(jax.nn.softmax(negative_score * ADV_T, axis=1))
    neg = (w * jax.nn.log_sigmoid(-negative_score)).sum(axis=1)
    pos = jax.nn.log_sigmoid(positive_score)
    positive_sample_loss = -jnp.mean(pos)
    negative_sample_loss = -jnp.mean(neg)
    loss = (positive_sample_loss + negative_sample_loss) / 2.0
    return loss

if __name__ == "__main__":
    import jax
    _d = setup_inputs()
    print(jax.jit(kernel)(*tuple(_d.values())))

</pallas_src>

<mosaic_0001>
#map = affine_map<(d0, d1) -> (0, 0)>
#map1 = affine_map<(d0, d1) -> (0)>
module attributes {stable_mosaic.version = 14 : i64} {
  func.func @sc_partials(%arg0: i32, %arg1: i32, %arg2: memref<1000000x64xf32, #tpu.memory_space<hbm>>, %arg3: memref<1000000x64xf32, #tpu.memory_space<hbm>>, %arg4: memref<69632xi32, #tpu.memory_space<hbm>>, %arg5: memref<69632xi32, #tpu.memory_space<hbm>>, %arg6: memref<69632xi32, #tpu.memory_space<hbm>>, %arg7: memref<4096x16xf32, #tpu.memory_space<hbm>>, %arg8: memref<4096x256xf32, #tpu.memory_space<hbm>>, %arg9: memref<128xi32, #tpu.memory_space<vmem>>, %arg10: memref<128xi32, #tpu.memory_space<vmem>>, %arg11: memref<128xi32, #tpu.memory_space<vmem>>, %arg12: memref<128x64xf32, #tpu.memory_space<vmem>>, %arg13: memref<128x64xf32, #tpu.memory_space<vmem>>, %arg14: memref<128x64xf32, #tpu.memory_space<vmem>>, %arg15: memref<128x16xf32, #tpu.memory_space<vmem>>, %arg16: memref<8x256xf32, #tpu.memory_space<vmem>>, %arg17: memref<!tpu.dma_semaphore, #tpu.memory_space<semaphore_mem>>) attributes {dimension_semantics = [#tpu.dimension_semantics<core_parallel>, #tpu.dimension_semantics<subcore_parallel>], iteration_bounds = array<i64: 2, 16>, scalar_prefetch = 0 : i64, scratch_operands = 9 : i64, tpu.core_type = #tpu.core_type<sc_vector_subcore>, window_params = [{transform_indices = #map}, {transform_indices = #map}, {transform_indices = #map1}, {transform_indices = #map1}, {transform_indices = #map1}, {transform_indices = #map}, {transform_indices = #map}]} {
    %mul3A = arith.constant 2 : i32
    %mul3A_0 = arith.muli %arg1, %mul3A : i32
    %add3A = arith.addi %mul3A_0, %arg0 : i32
    %scan3A = arith.constant 0 : i32
    %scan3A_1 = arith.constant 0 : i32
    %mul3A_2 = arith.constant 1 : i32
    %mul3A_3 = arith.muli %add3A, %mul3A_2 : i32
    %add3A_4 = arith.addi %mul3A_3, %scan3A_1 : i32
    %mul3A_5 = arith.constant 128 : i32
    %mul3A_6 = arith.muli %add3A_4, %mul3A_5 : i32
    "tpu.region"() ({
      %run_scoped3A = tpu.sem_alloc : memref<!tpu.dma_semaphore, #tpu.memory_space<semaphore_mem>>
      %dma_start3A_36 = tpu.memref_slice %arg4[%mul3A_6] : memref<69632xi32, #tpu.memory_space<hbm>> -> memref<128xi32, #tpu.memory_space<hbm>>
      %dma_start3A_37 = tpu.memref_slice %arg4[%mul3A_6] : memref<69632xi32, #tpu.memory_space<hbm>> -> memref<128xi32, #tpu.memory_space<hbm>>
      tpu.enqueue_dma source(%dma_start3A_37 : memref<128xi32, #tpu.memory_space<hbm>>) target(%arg9 : memref<128xi32, #tpu.memory_space<vmem>>) target_semaphore(%run_scoped3A : memref<!tpu.dma_semaphore, #tpu.memory_space<semaphore_mem>>)
      %dma_wait3A_38 = tpu.memref_slice %arg4[%mul3A_6] : memref<69632xi32, #tpu.memory_space<hbm>> -> memref<128xi32, #tpu.memory_space<hbm>>
      %dma_wait3A_39 = tpu.memref_slice %arg4[%mul3A_6] : memref<69632xi32, #tpu.memory_space<hbm>> -> memref<128xi32, #tpu.memory_space<hbm>>
      tpu.wait_dma2 semaphore(%run_scoped3A : memref<!tpu.dma_semaphore, #tpu.memory_space<semaphore_mem>>) src(%dma_wait3A_39 : memref<128xi32, #tpu.memory_space<hbm>>) dst(%arg9 : memref<128xi32, #tpu.memory_space<vmem>>)
      tpu.yield
    }) : () -> ()
    "tpu.region"() ({
      %run_scoped3A = tpu.sem_alloc : memref<!tpu.dma_semaphore, #tpu.memory_space<semaphore_mem>>
      %dma_start3A_36 = tpu.memref_slice %arg5[%mul3A_6] : memref<69632xi32, #tpu.memory_space<hbm>> -> memref<128xi32, #tpu.memory_space<hbm>>
      %dma_start3A_37 = tpu.memref_slice %arg5[%mul3A_6] : memref<69632xi32, #tpu.memory_space<hbm>> -> memref<128xi32, #tpu.memory_space<hbm>>
      tpu.enqueue_dma source(%dma_start3A_37 : memref<128xi32, #tpu.memory_space<hbm>>) target(%arg10 : memref<128xi32, #tpu.memory_space<vmem>>) target_semaphore(%run_scoped3A : memref<!tpu.dma_semaphore, #tpu.memory_space<semaphore_mem>>)
      %dma_wait3A_38 = tpu.memref_slice %arg5[%mul3A_6] : memref<69632xi32, #tpu.memory_space<hbm>> -> memref<128xi32, #tpu.memory_space<hbm>>
      %dma_wait3A_39 = tpu.memref_slice %arg5[%mul3A_6] : memref<69632xi32, #tpu.memory_space<hbm>> -> memref<128xi32, #tpu.memory_space<hbm>>
      tpu.wait_dma2 semaphore(%run_scoped3A : memref<!tpu.dma_semaphore, #tpu.memory_space<semaphore_mem>>) src(%dma_wait3A_39 : memref<128xi32, #tpu.memory_space<hbm>>) dst(%arg10 : memref<128xi32, #tpu.memory_space<vmem>>)
      tpu.yield
    }) : () -> ()
    "tpu.region"() ({
      %run_scoped3A = tpu.sem_alloc : memref<!tpu.dma_semaphore, #tpu.memory_space<semaphore_mem>>
      %dma_start3A_36 = tpu.memref_slice %arg6[%mul3A_6] : memref<69632xi32, #tpu.memory_space<hbm>> -> memref<128xi32, #tpu.memory_space<hbm>>
      %dma_start3A_37 = tpu.memref_slice %arg6[%mul3A_6] : memref<69632xi32, #tpu.memory_space<hbm>> -> memref<128xi32, #tpu.memory_space<hbm>>
      tpu.enqueue_dma source(%dma_start3A_37 : memref<128xi32, #tpu.memory_space<hbm>>) target(%arg11 : memref<128xi32, #tpu.memory_space<vmem>>) target_semaphore(%run_scoped3A : memref<!tpu.dma_semaphore, #tpu.memory_space<semaphore_mem>>)
      %dma_wait3A_38 = tpu.memref_slice %arg6[%mul3A_6] : memref<69632xi32, #tpu.memory_space<hbm>> -> memref<128xi32, #tpu.memory_space<hbm>>
      %dma_wait3A_39 = tpu.memref_slice %arg6[%mul3A_6] : memref<69632xi32, #tpu.memory_space<hbm>> -> memref<128xi32, #tpu.memory_space<hbm>>
      tpu.wait_dma2 semaphore(%run_scoped3A : memref<!tpu.dma_semaphore, #tpu.memory_space<semaphore_mem>>) src(%dma_wait3A_39 : memref<128xi32, #tpu.memory_space<hbm>>) dst(%arg11 : memref<128xi32, #tpu.memory_space<vmem>>)
      tpu.yield
    }) : () -> ()
    %dma_start3A = arith.constant 0 : i32
    %dma_start3A_7 = arith.constant 0 : i32
    %dma_start3A_8 = tpu.memref_slice %arg2[%dma_start3A, %dma_start3A_7] : memref<1000000x64xf32, #tpu.memory_space<hbm>> -> memref<1000000x64xf32, #tpu.memory_space<hbm>>
    tpu.enqueue_indirect_dma source(%dma_start3A_8 : memref<1000000x64xf32, #tpu.memory_space<hbm>>) target(%arg12 : memref<128x64xf32, #tpu.memory_space<vmem>>) offsets(%arg9 : memref<128xi32, #tpu.memory_space<vmem>>) semaphore(%arg17 : memref<!tpu.dma_semaphore, #tpu.memory_space<semaphore_mem>>)
    %dma_start3A_9 = arith.constant 0 : i32
    %dma_start3A_10 = arith.constant 0 : i32
    %dma_start3A_11 = tpu.memref_slice %arg3[%dma_start3A_9, %dma_start3A_10] : memref<1000000x64xf32, #tpu.memory_space<hbm>> -> memref<1000000x64xf32, #tpu.memory_space<hbm>>
    tpu.enqueue_indirect_dma source(%dma_start3A_11 : memref<1000000x64xf32, #tpu.memory_space<hbm>>) target(%arg13 : memref<128x64xf32, #tpu.memory_space<vmem>>) offsets(%arg10 : memref<128xi32, #tpu.memory_space<vmem>>) semaphore(%arg17 : memref<!tpu.dma_semaphore, #tpu.memory_space<semaphore_mem>>)
    %dma_start3A_12 = arith.constant 0 : i32
    %dma_start3A_13 = arith.constant 0 : i32
    %dma_start3A_14 = tpu.memref_slice %arg2[%dma_start3A_12, %dma_start3A_13] : memref<1000000x64xf32, #tpu.memory_space<hbm>> -> memref<1000000x64xf32, #tpu.memory_space<hbm>>
    tpu.enqueue_indirect_dma source(%dma_start3A_14 : memref<1000000x64xf32, #tpu.memory_space<hbm>>) target(%arg14 : memref<128x64xf32, #tpu.memory_space<vmem>>) offsets(%arg11 : memref<128xi32, #tpu.memory_space<vmem>>) semaphore(%arg17 : memref<!tpu.dma_semaphore, #tpu.memory_space<semaphore_mem>>)
    %dma_wait3A = arith.constant 0 : i32
    %dma_wait3A_15 = arith.constant 0 : i32
    %dma_wait3A_16 = tpu.memref_slice %arg2[%dma_wait3A, %dma_wait3A_15] : memref<1000000x64xf32, #tpu.memory_space<hbm>> -> memref<1000000x64xf32, #tpu.memory_space<hbm>>
    tpu.wait_indirect_dma semaphore(%arg17 : memref<!tpu.dma_semaphore, #tpu.memory_space<semaphore_mem>>) src(%dma_wait3A_16 : memref<1000000x64xf32, #tpu.memory_space<hbm>>) dst(%arg12 : memref<128x64xf32, #tpu.memory_space<vmem>>)
    %dma_wait3A_17 = arith.constant 0 : i32
    %dma_wait3A_18 = arith.constant 0 : i32
    %dma_wait3A_19 = tpu.memref_slice %arg3[%dma_wait3A_17, %dma_wait3A_18] : memref<1000000x64xf32, #tpu.memory_space<hbm>> -> memref<1000000x64xf32, #tpu.memory_space<hbm>>
    tpu.wait_indirect_dma semaphore(%arg17 : memref<!tpu.dma_semaphore, #tpu.memory_space<semaphore_mem>>) src(%dma_wait3A_19 : memref<1000000x64xf32, #tpu.memory_space<hbm>>) dst(%arg13 : memref<128x64xf32, #tpu.memory_space<vmem>>)
    %dma_wait3A_20 = arith.constant 0 : i32
    %dma_wait3A_21 = arith.constant 0 : i32
    %dma_wait3A_22 = tpu.memref_slice %arg2[%dma_wait3A_20, %dma_wait3A_21] : memref<1000000x64xf32, #tpu.memory_space<hbm>> -> memref<1000000x64xf32, #tpu.memory_space<hbm>>
    tpu.wait_indirect_dma semaphore(%arg17 : memref<!tpu.dma_semaphore, #tpu.memory_space<semaphore_mem>>) src(%dma_wait3A_22 : memref<1000000x64xf32, #tpu.memory_space<hbm>>) dst(%arg14 : memref<128x64xf32, #tpu.memory_space<vmem>>)
    %scan3A_23 = arith.constant 0 : i32
    %scan3A_24 = arith.constant 0 : i32
    %scan3A_25 = arith.constant 128 : i32
    %scan3A_26 = arith.addi %scan3A_24, %scan3A_25 : i32
    %scan3A_27 = arith.constant 1 : i32
    scf.for %scan3A_36 = %scan3A_24 to %scan3A_26 step %scan3A_27  : i32 {
      %broadcast_in_dim3A = arith.constant 0.000000e+00 : f32
      %broadcast_in_dim3A_37 = vector.broadcast %broadcast_in_dim3A : f32 to vector<16xf32>
      %get3A = arith.index_cast %scan3A_36 : i32 to index
      %get3A_38 = arith.constant 0 : index
      %get3A_39 = tpu.vector_load %arg12[%get3A, %get3A_38] {strides = array<i32>} : memref<128x64xf32, #tpu.memory_space<vmem>>, vector<1x16xf32>,
      %get3A_40 = vector.shape_cast %get3A_39 : vector<1x16xf32> to vector<16xf32>
      %get3A_41 = arith.index_cast %scan3A_36 : i32 to index
      %get3A_42 = arith.constant 0 : index
      %get3A_43 = tpu.vector_load %arg13[%get3A_41, %get3A_42] {strides = array<i32>} : memref<128x64xf32, #tpu.memory_space<vmem>>, vector<1x16xf32>,
      %get3A_44 = vector.shape_cast %get3A_43 : vector<1x16xf32> to vector<16xf32>
      %get3A_45 = arith.index_cast %scan3A_36 : i32 to index
      %get3A_46 = arith.constant 0 : index
      %get3A_47 = tpu.vector_load %arg14[%get3A_45, %get3A_46] {strides = array<i32>} : memref<128x64xf32, #tpu.memory_space<vmem>>, vector<1x16xf32>,
      %get3A_48 = vector.shape_cast %get3A_47 : vector<1x16xf32> to vector<16xf32>
      %add3A_49 = arith.addf %get3A_40, %get3A_44 : vector<16xf32>
      %sub3A = arith.subf %add3A_49, %get3A_48 : vector<16xf32>
      %abs3A = math.absf %sub3A : vector<16xf32>
      %add3A_50 = arith.addf %broadcast_in_dim3A_37, %abs3A : vector<16xf32>
      %get3A_51 = arith.index_cast %scan3A_36 : i32 to index
      %get3A_52 = arith.constant 16 : index
      %get3A_53 = tpu.vector_load %arg12[%get3A_51, %get3A_52] {strides = array<i32>} : memref<128x64xf32, #tpu.memory_space<vmem>>, vector<1x16xf32>,
      %get3A_54 = vector.shape_cast %get3A_53 : vector<1x16xf32> to vector<16xf32>
      %get3A_55 = arith.index_cast %scan3A_36 : i32 to index
      %get3A_56 = arith.constant 16 : index
      %get3A_57 = tpu.vector_load %arg13[%get3A_55, %get3A_56] {strides = array<i32>} : memref<128x64xf32, #tpu.memory_space<vmem>>, vector<1x16xf32>,
      %get3A_58 = vector.shape_cast %get3A_57 : vector<1x16xf32> to vector<16xf32>
      %get3A_59 = arith.index_cast %scan3A_36 : i32 to index
      %get3A_60 = arith.constant 16 : index
      %get3A_61 = tpu.vector_load %arg14[%get3A_59, %get3A_60] {strides = array<i32>} : memref<128x64xf32, #tpu.memory_space<vmem>>, vector<1x16xf32>,
      %get3A_62 = vector.shape_cast %get3A_61 : vector<1x16xf32> to vector<16xf32>
      %add3A_63 = arith.addf %get3A_54, %get3A_58 : vector<16xf32>
      %sub3A_64 = arith.subf %add3A_63, %get3A_62 : vector<16xf32>
      %abs3A_65 = math.absf %sub3A_64 : vector<16xf32>
      %add3A_66 = arith.addf %add3A_50, %abs3A_65 : vector<16xf32>
      %get3A_67 = arith.index_cast %scan3A_36 : i32 to index
      %get3A_68 = arith.constant 32 : index
      %get3A_69 = tpu.vector_load %arg12[%get3A_67, %get3A_68] {strides = array<i32>} : memref<128x64xf32, #tpu.memory_space<vmem>>, vector<1x16xf32>,
      %get3A_70 = vector.shape_cast %get3A_69 : vector<1x16xf32> to vector<16xf32>
      %get3A_71 = arith.index_cast %scan3A_36 : i32 to index
      %get3A_72 = arith.constant 32 : index
      %get3A_73 = tpu.vector_load %arg13[%get3A_71, %get3A_72] {strides = array<i32>} : memref<128x64xf32, #tpu.memory_space<vmem>>, vector<1x16xf32>,
      %get3A_74 = vector.shape_cast %get3A_73 : vector<1x16xf32> to vector<16xf32>
      %get3A_75 = arith.index_cast %scan3A_36 : i32 to index
      %get3A_76 = arith.constant 32 : index
      %get3A_77 = tpu.vector_load %arg14[%get3A_75, %get3A_76] {strides = array<i32>} : memref<128x64xf32, #tpu.memory_space<vmem>>, vector<1x16xf32>,
      %get3A_78 = vector.shape_cast %get3A_77 : vector<1x16xf32> to vector<16xf32>
      %add3A_79 = arith.addf %get3A_70, %get3A_74 : vector<16xf32>
      %sub3A_80 = arith.subf %add3A_79, %get3A_78 : vector<16xf32>
      %abs3A_81 = math.absf %sub3A_80 : vector<16xf32>
      %add3A_82 = arith.addf %add3A_66, %abs3A_81 : vector<16xf32>
      %get3A_83 = arith.index_cast %scan3A_36 : i32 to index
      %get3A_84 = arith.constant 48 : index
      %get3A_85 = tpu.vector_load %arg12[%get3A_83, %get3A_84] {strides = array<i32>} : memref<128x64xf32, #tpu.memory_space<vmem>>, vector<1x16xf32>,
      %get3A_86 = vector.shape_cast %get3A_85 : vector<1x16xf32> to vector<16xf32>
      %get3A_87 = arith.index_cast %scan3A_36 : i32 to index
      %get3A_88 = arith.constant 48 : index
      %get3A_89 = tpu.vector_load %arg13[%get3A_87, %get3A_88] {strides = array<i32>} : memref<128x64xf32, #tpu.memory_space<vmem>>, vector<1x16xf32>,
      %get3A_90 = vector.shape_cast %get3A_89 : vector<1x16xf32> to vector<16xf32>
      %get3A_91 = arith.index_cast %scan3A_36 : i32 to index
      %get3A_92 = arith.constant 48 : index
      %get3A_93 = tpu.vector_load %arg14[%get3A_91, %get3A_92] {strides = array<i32>} : memref<128x64xf32, #tpu.memory_space<vmem>>, vector<1x16xf32>,
      %get3A_94 = vector.shape_cast %get3A_93 : vector<1x16xf32> to vector<16xf32>
      %add3A_95 = arith.addf %get3A_86, %get3A_90 : vector<16xf32>
      %sub3A_96 = arith.subf %add3A_95, %get3A_94 : vector<16xf32>
      %abs3A_97 = math.absf %sub3A_96 : vector<16xf32>
      %add3A_98 = arith.addf %add3A_82, %abs3A_97 : vector<16xf32>
      %swap3A = arith.index_cast %scan3A_36 : i32 to index
      %swap3A_99 = arith.constant 0 : index
      %swap3A_100 = tpu.vector_load %arg15[%swap3A, %swap3A_99] {strides = array<i32>} : memref<128x16xf32, #tpu.memory_space<vmem>>, vector<1x16xf32>,
      %swap3A_101 = vector.shape_cast %swap3A_100 : vector<1x16xf32> to vector<16xf32>
      %swap3A_102 = vector.shape_cast %add3A_98 : vector<16xf32> to vector<1x16xf32>
      tpu.vector_store %arg15[%swap3A, %swap3A_99], %swap3A_102 {strides = array<i32>} : memref<128x16xf32, #tpu.memory_space<vmem>>, vector<1x16xf32>,
    }
    %scan3A_28 = arith.constant 128 : i32
    "tpu.region"() ({
      %run_scoped3A = tpu.sem_alloc : memref<!tpu.dma_semaphore, #tpu.memory_space<semaphore_mem>>
      %dma_start3A_36 = arith.constant 0 : i32
      %dma_start3A_37 = tpu.memref_slice %arg7[%mul3A_6, %dma_start3A_36] : memref<4096x16xf32, #tpu.memory_space<hbm>> -> memref<128x16xf32, #tpu.memory_space<hbm>>
      %dma_start3A_38 = arith.constant 0 : i32
      %dma_start3A_39 = tpu.memref_slice %arg7[%mul3A_6, %dma_start3A_38] : memref<4096x16xf32, #tpu.memory_space<hbm>> -> memref<128x16xf32, #tpu.memory_space<hbm>>
      tpu.enqueue_dma source(%arg15 : memref<128x16xf32, #tpu.memory_space<vmem>>) target(%dma_start3A_39 : memref<128x16xf32, #tpu.memory_space<hbm>>) target_semaphore(%run_scoped3A : memref<!tpu.dma_semaphore, #tpu.memory_space<semaphore_mem>>)
      %dma_wait3A_40 = arith.constant 0 : i32
      %dma_wait3A_41 = tpu.memref_slice %arg7[%mul3A_6, %dma_wait3A_40] : memref<4096x16xf32, #tpu.memory_space<hbm>> -> memref<128x16xf32, #tpu.memory_space<hbm>>
      %dma_wait3A_42 = arith.constant 0 : i32
      %dma_wait3A_43 = tpu.memref_slice %arg7[%mul3A_6, %dma_wait3A_42] : memref<4096x16xf32, #tpu.memory_space<hbm>> -> memref<128x16xf32, #tpu.memory_space<hbm>>
      tpu.wait_dma2 semaphore(%run_scoped3A : memref<!tpu.dma_semaphore, #tpu.memory_space<semaphore_mem>>) src(%arg15 : memref<128x16xf32, #tpu.memory_space<vmem>>) dst(%dma_wait3A_43 : memref<128x16xf32, #tpu.memory_space<hbm>>)
      tpu.yield
    }) : () -> ()
    %scan3A_29 = arith.constant 1 : i32
    %scan3A_30 = arith.constant 0 : i32
    %scan3A_31 = arith.constant 0 : i32
    %scan3A_32 = arith.constant 16 : i32
    %scan3A_33 = arith.addi %scan3A_31, %scan3A_32 : i32
    %scan3A_34 = arith.constant 1 : i32
    scf.for %scan3A_36 = %scan3A_31 to %scan3A_33 step %scan3A_34  : i32 {
      %mul3A_37 = arith.constant 16 : i32
      %mul3A_38 = arith.muli %add3A, %mul3A_37 : i32
      %add3A_39 = arith.addi %mul3A_38, %scan3A_36 : i32
      %mul3A_40 = arith.constant 128 : i32
      %mul3A_41 = arith.muli %add3A_39, %mul3A_40 : i32
      %add3A_42 = arith.constant 4096 : i32
      %add3A_43 = arith.addi %add3A_42, %mul3A_41 : i32
      "tpu.region"() ({
        %run_scoped3A = tpu.sem_alloc : memref<!tpu.dma_semaphore, #tpu.memory_space<semaphore_mem>>
        %dma_start3A_70 = tpu.memref_slice %arg4[%add3A_43] : memref<69632xi32, #tpu.memory_space<hbm>> -> memref<128xi32, #tpu.memory_space<hbm>>
        %dma_start3A_71 = tpu.memref_slice %arg4[%add3A_43] : memref<69632xi32, #tpu.memory_space<hbm>> -> memref<128xi32, #tpu.memory_space<hbm>>
        tpu.enqueue_dma source(%dma_start3A_71 : memref<128xi32, #tpu.memory_space<hbm>>) target(%arg9 : memref<128xi32, #tpu.memory_space<vmem>>) target_semaphore(%run_scoped3A : memref<!tpu.dma_semaphore, #tpu.memory_space<semaphore_mem>>)
        %dma_wait3A_72 = tpu.memref_slice %arg4[%add3A_43] : memref<69632xi32, #tpu.memory_space<hbm>> -> memref<128xi32, #tpu.memory_space<hbm>>
        %dma_wait3A_73 = tpu.memref_slice %arg4[%add3A_43] : memref<69632xi32, #tpu.memory_space<hbm>> -> memref<128xi32, #tpu.memory_space<hbm>>
        tpu.wait_dma2 semaphore(%run_scoped3A : memref<!tpu.dma_semaphore, #tpu.memory_space<semaphore_mem>>) src(%dma_wait3A_73 : memref<128xi32, #tpu.memory_space<hbm>>) dst(%arg9 : memref<128xi32, #tpu.memory_space<vmem>>)
        tpu.yield
      }) : () -> ()
      "tpu.region"() ({
        %run_scoped3A = tpu.sem_alloc : memref<!tpu.dma_semaphore, #tpu.memory_space<semaphore_mem>>
        %dma_start3A_70 = tpu.memref_slice %arg5[%add3A_43] : memref<69632xi32, #tpu.memory_space<hbm>> -> memref<128xi32, #tpu.memory_space<hbm>>
        %dma_start3A_71 = tpu.memref_slice %arg5[%add3A_43] : memref<69632xi32, #tpu.memory_space<hbm>> -> memref<128xi32, #tpu.memory_space<hbm>>
        tpu.enqueue_dma source(%dma_start3A_71 : memref<128xi32, #tpu.memory_space<hbm>>) target(%arg10 : memref<128xi32, #tpu.memory_space<vmem>>) target_semaphore(%run_scoped3A : memref<!tpu.dma_semaphore, #tpu.memory_space<semaphore_mem>>)
        %dma_wait3A_72 = tpu.memref_slice %arg5[%add3A_43] : memref<69632xi32, #tpu.memory_space<hbm>> -> memref<128xi32, #tpu.memory_space<hbm>>
        %dma_wait3A_73 = tpu.memref_slice %arg5[%add3A_43] : memref<69632xi32, #tpu.memory_space<hbm>> -> memref<128xi32, #tpu.memory_space<hbm>>
        tpu.wait_dma2 semaphore(%run_scoped3A : memref<!tpu.dma_semaphore, #tpu.memory_space<semaphore_mem>>) src(%dma_wait3A_73 : memref<128xi32, #tpu.memory_space<hbm>>) dst(%arg10 : memref<128xi32, #tpu.memory_space<vmem>>)
        tpu.yield
      }) : () -> ()
      "tpu.region"() ({
        %run_scoped3A = tpu.sem_alloc : memref<!tpu.dma_semaphore, #tpu.memory_space<semaphore_mem>>
        %dma_start3A_70 = tpu.memref_slice %arg6[%add3A_43] : memref<69632xi32, #tpu.memory_space<hbm>> -> memref<128xi32, #tpu.memory_space<hbm>>
        %dma_start3A_71 = tpu.memref_slice %arg6[%add3A_43] : memref<69632xi32, #tpu.memory_space<hbm>> -> memref<128xi32, #tpu.memory_space<hbm>>
        tpu.enqueue_dma source(%dma_start3A_71 : memref<128xi32, #tpu.memory_space<hbm>>) target(%arg11 : memref<128xi32, #tpu.memory_space<vmem>>) target_semaphore(%run_scoped3A : memref<!tpu.dma_semaphore, #tpu.memory_space<semaphore_mem>>)
        %dma_wait3A_72 = tpu.memref_slice %arg6[%add3A_43] : memref<69632xi32, #tpu.memory_space<hbm>> -> memref<128xi32, #tpu.memory_space<hbm>>
        %dma_wait3A_73 = tpu.memref_slice %arg6[%add3A_43] : memref<69632xi32, #tpu.memory_space<hbm>> -> memref<128xi32, #tpu.memory_space<hbm>>
        tpu.wait_dma2 semaphore(%run_scoped3A : memref<!tpu.dma_semaphore, #tpu.memory_space<semaphore_mem>>) src(%dma_wait3A_73 : memref<128xi32, #tpu.memory_space<hbm>>) dst(%arg11 : memref<128xi32, #tpu.memory_space<vmem>>)
        tpu.yield
      }) : () -> ()
      %dma_start3A_44 = arith.constant 0 : i32
      %dma_start3A_45 = arith.constant 0 : i32
      %dma_start3A_46 = tpu.memref_slice %arg2[%dma_start3A_44, %dma_start3A_45] : memref<1000000x64xf32, #tpu.memory_space<hbm>> -> memref<1000000x64xf32, #tpu.memory_space<hbm>>
      tpu.enqueue_indirect_dma source(%dma_start3A_46 : memref<1000000x64xf32, #tpu.memory_space<hbm>>) target(%arg12 : memref<128x64xf32, #tpu.memory_space<vmem>>) offsets(%arg9 : memref<128xi32, #tpu.memory_space<vmem>>) semaphore(%arg17 : memref<!tpu.dma_semaphore, #tpu.memory_space<semaphore_mem>>)
      %dma_start3A_47 = arith.constant 0 : i32
      %dma_start3A_48 = arith.constant 0 : i32
      %dma_start3A_49 = tpu.memref_slice %arg3[%dma_start3A_47, %dma_start3A_48] : memref<1000000x64xf32, #tpu.memory_space<hbm>> -> memref<1000000x64xf32, #tpu.memory_space<hbm>>
      tpu.enqueue_indirect_dma source(%dma_start3A_49 : memref<1000000x64xf32, #tpu.memory_space<hbm>>) target(%arg13 : memref<128x64xf32, #tpu.memory_space<vmem>>) offsets(%arg10 : memref<128xi32, #tpu.memory_space<vmem>>) semaphore(%arg17 : memref<!tpu.dma_semaphore, #tpu.memory_space<semaphore_mem>>)
      %dma_start3A_50 = arith.constant 0 : i32
      %dma_start3A_51 = arith.constant 0 : i32
      %dma_start3A_52 = tpu.memref_slice %arg2[%dma_start3A_50, %dma_start3A_51] : memref<1000000x64xf32, #tpu.memory_space<hbm>> -> memref<1000000x64xf32, #tpu.memory_space<hbm>>
      tpu.enqueue_indirect_dma source(%dma_start3A_52 : memref<1000000x64xf32, #tpu.memory_space<hbm>>) target(%arg14 : memref<128x64xf32, #tpu.memory_space<vmem>>) offsets(%arg11 : memref<128xi32, #tpu.memory_space<vmem>>) semaphore(%arg17 : memref<!tpu.dma_semaphore, #tpu.memory_space<semaphore_mem>>)
      %dma_wait3A_53 = arith.constant 0 : i32
      %dma_wait3A_54 = arith.constant 0 : i32
      %dma_wait3A_55 = tpu.memref_slice %arg2[%dma_wait3A_53, %dma_wait3A_54] : memref<1000000x64xf32, #tpu.memory_space<hbm>> -> memref<1000000x64xf32, #tpu.memory_space<hbm>>
      tpu.wait_indirect_dma semaphore(%arg17 : memref<!tpu.dma_semaphore, #tpu.memory_space<semaphore_mem>>) src(%dma_wait3A_55 : memref<1000000x64xf32, #tpu.memory_space<hbm>>) dst(%arg12 : memref<128x64xf32, #tpu.memory_space<vmem>>)
      %dma_wait3A_56 = arith.constant 0 : i32
      %dma_wait3A_57 = arith.constant 0 : i32
      %dma_wait3A_58 = tpu.memref_slice %arg3[%dma_wait3A_56, %dma_wait3A_57] : memref<1000000x64xf32, #tpu.memory_space<hbm>> -> memref<1000000x64xf32, #tpu.memory_space<hbm>>
      tpu.wait_indirect_dma semaphore(%arg17 : memref<!tpu.dma_semaphore, #tpu.memory_space<semaphore_mem>>) src(%dma_wait3A_58 : memref<1000000x64xf32, #tpu.memory_space<hbm>>) dst(%arg13 : memref<128x64xf32, #tpu.memory_space<vmem>>)
      %dma_wait3A_59 = arith.constant 0 : i32
      %dma_wait3A_60 = arith.constant 0 : i32
      %dma_wait3A_61 = tpu.memref_slice %arg2[%dma_wait3A_59, %dma_wait3A_60] : memref<1000000x64xf32, #tpu.memory_space<hbm>> -> memref<1000000x64xf32, #tpu.memory_space<hbm>>
      tpu.wait_indirect_dma semaphore(%arg17 : memref<!tpu.dma_semaphore, #tpu.memory_space<semaphore_mem>>) src(%dma_wait3A_61 : memref<1000000x64xf32, #tpu.memory_space<hbm>>) dst(%arg14 : memref<128x64xf32, #tpu.memory_space<vmem>>)
      %scan3A_62 = arith.constant 0 : i32
      %scan3A_63 = arith.constant 0 : i32
      %scan3A_64 = arith.constant 128 : i32
      %scan3A_65 = arith.addi %scan3A_63, %scan3A_64 : i32
      %scan3A_66 = arith.constant 1 : i32
      scf.for %scan3A_70 = %scan3A_63 to %scan3A_65 step %scan3A_66  : i32 {
        %broadcast_in_dim3A = arith.constant 0.000000e+00 : f32
        %broadcast_in_dim3A_71 = vector.broadcast %broadcast_in_dim3A : f32 to vector<16xf32>
        %get3A = arith.index_cast %scan3A_70 : i32 to index
        %get3A_72 = arith.constant 0 : index
        %get3A_73 = tpu.vector_load %arg12[%get3A, %get3A_72] {strides = array<i32>} : memref<128x64xf32, #tpu.memory_space<vmem>>, vector<1x16xf32>,
        %get3A_74 = vector.shape_cast %get3A_73 : vector<1x16xf32> to vector<16xf32>
        %get3A_75 = arith.index_cast %scan3A_70 : i32 to index
        %get3A_76 = arith.constant 0 : index
        %get3A_77 = tpu.vector_load %arg13[%get3A_75, %get3A_76] {strides = array<i32>} : memref<128x64xf32, #tpu.memory_space<vmem>>, vector<1x16xf32>,
        %get3A_78 = vector.shape_cast %get3A_77 : vector<1x16xf32> to vector<16xf32>
        %get3A_79 = arith.index_cast %scan3A_70 : i32 to index
        %get3A_80 = arith.constant 0 : index
        %get3A_81 = tpu.vector_load %arg14[%get3A_79, %get3A_80] {strides = array<i32>} : memref<128x64xf32, #tpu.memory_space<vmem>>, vector<1x16xf32>,
        %get3A_82 = vector.shape_cast %get3A_81 : vector<1x16xf32> to vector<16xf32>
        %add3A_83 = arith.addf %get3A_74, %get3A_78 : vector<16xf32>
        %sub3A = arith.subf %add3A_83, %get3A_82 : vector<16xf32>
        %abs3A = math.absf %sub3A : vector<16xf32>
        %add3A_84 = arith.addf %broadcast_in_dim3A_71, %abs3A : vector<16xf32>
        %get3A_85 = arith.index_cast %scan3A_70 : i32 to index
        %get3A_86 = arith.constant 16 : index
        %get3A_87 = tpu.vector_load %arg12[%get3A_85, %get3A_86] {strides = array<i32>} : memref<128x64xf32, #tpu.memory_space<vmem>>, vector<1x16xf32>,
        %get3A_88 = vector.shape_cast %get3A_87 : vector<1x16xf32> to vector<16xf32>
        %get3A_89 = arith.index_cast %scan3A_70 : i32 to index
        %get3A_90 = arith.constant 16 : index
        %get3A_91 = tpu.vector_load %arg13[%get3A_89, %get3A_90] {strides = array<i32>} : memref<128x64xf32, #tpu.memory_space<vmem>>, vector<1x16xf32>,
        %get3A_92 = vector.shape_cast %get3A_91 : vector<1x16xf32> to vector<16xf32>
        %get3A_93 = arith.index_cast %scan3A_70 : i32 to index
        %get3A_94 = arith.constant 16 : index
        %get3A_95 = tpu.vector_load %arg14[%get3A_93, %get3A_94] {strides = array<i32>} : memref<128x64xf32, #tpu.memory_space<vmem>>, vector<1x16xf32>,
        %get3A_96 = vector.shape_cast %get3A_95 : vector<1x16xf32> to vector<16xf32>
        %add3A_97 = arith.addf %get3A_88, %get3A_92 : vector<16xf32>
        %sub3A_98 = arith.subf %add3A_97, %get3A_96 : vector<16xf32>
        %abs3A_99 = math.absf %sub3A_98 : vector<16xf32>
        %add3A_100 = arith.addf %add3A_84, %abs3A_99 : vector<16xf32>
        %get3A_101 = arith.index_cast %scan3A_70 : i32 to index
        %get3A_102 = arith.constant 32 : index
        %get3A_103 = tpu.vector_load %arg12[%get3A_101, %get3A_102] {strides = array<i32>} : memref<128x64xf32, #tpu.memory_space<vmem>>, vector<1x16xf32>,
        %get3A_104 = vector.shape_cast %get3A_103 : vector<1x16xf32> to vector<16xf32>
        %get3A_105 = arith.index_cast %scan3A_70 : i32 to index
        %get3A_106 = arith.constant 32 : index
        %get3A_107 = tpu.vector_load %arg13[%get3A_105, %get3A_106] {strides = array<i32>} : memref<128x64xf32, #tpu.memory_space<vmem>>, vector<1x16xf32>,
        %get3A_108 = vector.shape_cast %get3A_107 : vector<1x16xf32> to vector<16xf32>
        %get3A_109 = arith.index_cast %scan3A_70 : i32 to index
        %get3A_110 = arith.constant 32 : index
        %get3A_111 = tpu.vector_load %arg14[%get3A_109, %get3A_110] {strides = array<i32>} : memref<128x64xf32, #tpu.memory_space<vmem>>, vector<1x16xf32>,
        %get3A_112 = vector.shape_cast %get3A_111 : vector<1x16xf32> to vector<16xf32>
        %add3A_113 = arith.addf %get3A_104, %get3A_108 : vector<16xf32>
        %sub3A_114 = arith.subf %add3A_113, %get3A_112 : vector<16xf32>
        %abs3A_115 = math.absf %sub3A_114 : vector<16xf32>
        %add3A_116 = arith.addf %add3A_100, %abs3A_115 : vector<16xf32>
        %get3A_117 = arith.index_cast %scan3A_70 : i32 to index
        %get3A_118 = arith.constant 48 : index
        %get3A_119 = tpu.vector_load %arg12[%get3A_117, %get3A_118] {strides = array<i32>} : memref<128x64xf32, #tpu.memory_space<vmem>>, vector<1x16xf32>,
        %get3A_120 = vector.shape_cast %get3A_119 : vector<1x16xf32> to vector<16xf32>
        %get3A_121 = arith.index_cast %scan3A_70 : i32 to index
        %get3A_122 = arith.constant 48 : index
        %get3A_123 = tpu.vector_load %arg13[%get3A_121, %get3A_122] {strides = array<i32>} : memref<128x64xf32, #tpu.memory_space<vmem>>, vector<1x16xf32>,
        %get3A_124 = vector.shape_cast %get3A_123 : vector<1x16xf32> to vector<16xf32>
        %get3A_125 = arith.index_cast %scan3A_70 : i32 to index
        %get3A_126 = arith.constant 48 : index
        %get3A_127 = tpu.vector_load %arg14[%get3A_125, %get3A_126] {strides = array<i32>} : memref<128x64xf32, #tpu.memory_space<vmem>>, vector<1x16xf32>,
        %get3A_128 = vector.shape_cast %get3A_127 : vector<1x16xf32> to vector<16xf32>
        %add3A_129 = arith.addf %get3A_120, %get3A_124 : vector<16xf32>
        %sub3A_130 = arith.subf %add3A_129, %get3A_128 : vector<16xf32>
        %abs3A_131 = math.absf %sub3A_130 : vector<16xf32>
        %add3A_132 = arith.addf %add3A_116, %abs3A_131 : vector<16xf32>
        %jit3A = arith.constant 16 : i32
        %div3A = arith.divsi %scan3A_70, %jit3A : i32
        %sign3A = arith.constant 0 : i32
        %sign3A_133 = arith.cmpi sgt, %scan3A_70, %sign3A : i32
        %sign3A_134 = arith.extui %sign3A_133 : i1 to i32
        %sign3A_135 = arith.constant 0 : i32
        %sign3A_136 = arith.cmpi slt, %scan3A_70, %sign3A_135 : i32
        %sign3A_137 = arith.extui %sign3A_136 : i1 to i32
        %sign3A_138 = arith.subi %sign3A_134, %sign3A_137 : i32
        %sign3A_139 = arith.constant 0 : i32
        %sign3A_140 = arith.cmpi sgt, %jit3A, %sign3A_139 : i32
        %sign3A_141 = arith.extui %sign3A_140 : i1 to i32
        %sign3A_142 = arith.constant 0 : i32
        %sign3A_143 = arith.cmpi slt, %jit3A, %sign3A_142 : i32
        %sign3A_144 = arith.extui %sign3A_143 : i1 to i32
        %sign3A_145 = arith.subi %sign3A_141, %sign3A_144 : i32
        %ne3A = arith.cmpi ne, %sign3A_138, %sign3A_145 : i32
        %rem3A = arith.remsi %scan3A_70, %jit3A : i32
        %ne3A_146 = arith.constant 0 : i32
        %ne3A_147 = arith.cmpi ne, %rem3A, %ne3A_146 : i32
        %and3A = arith.andi %ne3A, %ne3A_147 : i1
        %sub3A_148 = arith.constant 1 : i32
        %sub3A_149 = arith.subi %div3A, %sub3A_148 : i32
        %select_n3A = arith.select %and3A, %sub3A_149, %div3A : i32
        %jit3A_150 = arith.constant 16 : i32
        %eq3A = arith.constant 0 : i32
        %eq3A_151 = arith.cmpi eq, %jit3A_150, %eq3A : i32
        %jit3A_152 = arith.constant 1 : i32
        %select_n3A_153 = arith.select %eq3A_151, %jit3A_152, %jit3A_150 : i32
        %rem3A_154 = arith.remsi %scan3A_70, %select_n3A_153 : i32
        %ne3A_155 = arith.constant 0 : i32
        %ne3A_156 = arith.cmpi ne, %rem3A_154, %ne3A_155 : i32
        %lt3A = arith.constant 0 : i32
        %lt3A_157 = arith.cmpi slt, %rem3A_154, %lt3A : i32
        %lt3A_158 = arith.constant 0 : i32
        %lt3A_159 = arith.cmpi slt, %select_n3A_153, %lt3A_158 : i32
        %ne3A_160 = arith.xori %lt3A_157, %lt3A_159 : i1
        %and3A_161 = arith.andi %ne3A_160, %ne3A_156 : i1
        %add3A_162 = arith.addi %rem3A_154, %select_n3A_153 : i32
        %select_n3A_163 = arith.select %and3A_161, %add3A_162, %rem3A_154 : i32
        %mul3A_164 = arith.constant 16 : i32
        %mul3A_165 = arith.muli %select_n3A_163, %mul3A_164 : i32
        %swap3A = arith.index_cast %select_n3A : i32 to index
        %swap3A_166 = arith.index_cast %mul3A_165 : i32 to index
        %swap3A_167 = tpu.vector_load %arg16[%swap3A, %swap3A_166] {strides = array<i32>} : memref<8x256xf32, #tpu.memory_space<vmem>>, vector<1x16xf32>,
        %swap3A_168 = vector.shape_cast %swap3A_167 : vector<1x16xf32> to vector<16xf32>
        %swap3A_169 = vector.shape_cast %add3A_132 : vector<16xf32> to vector<1x16xf32>
        tpu.vector_store %arg16[%swap3A, %swap3A_166], %swap3A_169 {strides = array<i32>} : memref<8x256xf32, #tpu.memory_space<vmem>>, vector<1x16xf32>,
      }
      %scan3A_67 = arith.constant 128 : i32
      %mul3A_68 = arith.constant 8 : i32
      %mul3A_69 = arith.muli %add3A_39, %mul3A_68 : i32
      "tpu.region"() ({
        %run_scoped3A = tpu.sem_alloc : memref<!tpu.dma_semaphore, #tpu.memory_space<semaphore_mem>>
        %dma_start3A_70 = arith.constant 0 : i32
        %dma_start3A_71 = tpu.memref_slice %arg8[%mul3A_69, %dma_start3A_70] : memref<4096x256xf32, #tpu.memory_space<hbm>> -> memref<8x256xf32, #tpu.memory_space<hbm>>
        %dma_start3A_72 = arith.constant 0 : i32
        %dma_start3A_73 = tpu.memref_slice %arg8[%mul3A_69, %dma_start3A_72] : memref<4096x256xf32, #tpu.memory_space<hbm>> -> memref<8x256xf32, #tpu.memory_space<hbm>>
        tpu.enqueue_dma source(%arg16 : memref<8x256xf32, #tpu.memory_space<vmem>>) target(%dma_start3A_73 : memref<8x256xf32, #tpu.memory_space<hbm>>) target_semaphore(%run_scoped3A : memref<!tpu.dma_semaphore, #tpu.memory_space<semaphore_mem>>)
        %dma_wait3A_74 = arith.constant 0 : i32
        %dma_wait3A_75 = tpu.memref_slice %arg8[%mul3A_69, %dma_wait3A_74] : memref<4096x256xf32, #tpu.memory_space<hbm>> -> memref<8x256xf32, #tpu.memory_space<hbm>>
        %dma_wait3A_76 = arith.constant 0 : i32
        %dma_wait3A_77 = tpu.memref_slice %arg8[%mul3A_69, %dma_wait3A_76] : memref<4096x256xf32, #tpu.memory_space<hbm>> -> memref<8x256xf32, #tpu.memory_space<hbm>>
        tpu.wait_dma2 semaphore(%run_scoped3A : memref<!tpu.dma_semaphore, #tpu.memory_space<semaphore_mem>>) src(%arg16 : memref<8x256xf32, #tpu.memory_space<vmem>>) dst(%dma_wait3A_77 : memref<8x256xf32, #tpu.memory_space<hbm>>)
        tpu.yield
      }) : () -> ()
    }
    %scan3A_35 = arith.constant 16 : i32
    return
  }
}

module attributes {stable_mosaic.version = 14 : i64} {
  func.func @_loss_body(%arg0: memref<4096x16xf32, #tpu.memory_space<vmem>>, %arg1: memref<4096x256xf32, #tpu.memory_space<vmem>>, %arg2: memref<1x1xf32, #tpu.memory_space<smem>>) attributes {dimension_semantics = [], scalar_prefetch = 0 : i64, scratch_operands = 0 : i64, tpu.core_type = #tpu.core_type<tc>} {
    %get3A = arith.constant 0 : index
    %get3A_0 = arith.constant 0 : index
    %get3A_1 = vector.load %arg0[%get3A, %get3A_0] : memref<4096x16xf32, #tpu.memory_space<vmem>>, vector<4096x16xf32>
    %get3A_2 = arith.constant 0 : index
    %get3A_3 = arith.constant 0 : index
    %get3A_4 = vector.load %arg1[%get3A_2, %get3A_3] : memref<4096x256xf32, #tpu.memory_space<vmem>>, vector<4096x256xf32>
    %reduce_sum3A = arith.constant dense<0.000000e+00> : vector<4096xf32>
    %reduce_sum3A_5 = vector.multi_reduction <add>, %get3A_1, %reduce_sum3A [1] : vector<4096x16xf32> to vector<4096xf32>
    %sub3A = arith.constant 1.200000e+01 : f32
    %sub3A_6 = vector.broadcast %sub3A : f32 to vector<4096xf32>
    %sub3A_7 = arith.subf %sub3A_6, %reduce_sum3A_5 : vector<4096xf32>
    %iota3A = tpu.iota {dimensions = array<i32: 0>} : vector<256x16xi32>
    %iota3A_8 = tpu.iota {dimensions = array<i32: 1>} : vector<256x16xi32>
    %jit3A = arith.constant 16 : i32
    %div3A = vector.broadcast %jit3A : i32 to vector<256x16xi32>
    %div3A_9 = arith.divsi %iota3A, %div3A : vector<256x16xi32>
    %sign3A = arith.constant 0 : i32
    %sign3A_10 = vector.broadcast %sign3A : i32 to vector<256x16xi32>
    %sign3A_11 = arith.cmpi sgt, %iota3A, %sign3A_10 : vector<256x16xi32>
    %sign3A_12 = arith.extui %sign3A_11 : vector<256x16xi1> to vector<256x16xi32>
    %sign3A_13 = arith.constant 0 : i32
    %sign3A_14 = vector.broadcast %sign3A_13 : i32 to vector<256x16xi32>
    %sign3A_15 = arith.cmpi slt, %iota3A, %sign3A_14 : vector<256x16xi32>
    %sign3A_16 = arith.extui %sign3A_15 : vector<256x16xi1> to vector<256x16xi32>
    %sign3A_17 = arith.subi %sign3A_12, %sign3A_16 : vector<256x16xi32>
    %sign3A_18 = arith.constant 0 : i32
    %sign3A_19 = arith.cmpi sgt, %jit3A, %sign3A_18 : i32
    %sign3A_20 = arith.extui %sign3A_19 : i1 to i32
    %sign3A_21 = arith.constant 0 : i32
    %sign3A_22 = arith.cmpi slt, %jit3A, %sign3A_21 : i32
    %sign3A_23 = arith.extui %sign3A_22 : i1 to i32
    %sign3A_24 = arith.subi %sign3A_20, %sign3A_23 : i32
    %ne3A = vector.broadcast %sign3A_24 : i32 to vector<256x16xi32>
    %ne3A_25 = arith.cmpi ne, %sign3A_17, %ne3A : vector<256x16xi32>
    %rem3A = vector.broadcast %jit3A : i32 to vector<256x16xi32>
    %rem3A_26 = arith.remsi %iota3A, %rem3A : vector<256x16xi32>
    %ne3A_27 = arith.constant 0 : i32
    %ne3A_28 = vector.broadcast %ne3A_27 : i32 to vector<256x16xi32>
    %ne3A_29 = arith.cmpi ne, %rem3A_26, %ne3A_28 : vector<256x16xi32>
    %and3A = arith.andi %ne3A_25, %ne3A_29 : vector<256x16xi1>
    %sub3A_30 = arith.constant 1 : i32
    %sub3A_31 = vector.broadcast %sub3A_30 : i32 to vector<256x16xi32>
    %sub3A_32 = arith.subi %div3A_9, %sub3A_31 : vector<256x16xi32>
    %select_n3A = arith.select %and3A, %sub3A_32, %div3A_9 : vector<256x16xi1>, vector<256x16xi32>
    %eq3A = arith.cmpi eq, %select_n3A, %iota3A_8 : vector<256x16xi32>
    %jit3A_33 = arith.constant 1.000000e+00 : f32
    %jit3A_34 = arith.constant 0.000000e+00 : f32
    %broadcast_in_dim3A = vector.broadcast %jit3A_33 : f32 to vector<256x16xf32>
    %broadcast_in_dim3A_35 = vector.broadcast %jit3A_34 : f32 to vector<256x16xf32>
    %select_n3A_36 = arith.select %eq3A, %broadcast_in_dim3A, %broadcast_in_dim3A_35 : vector<256x16xi1>, vector<256x16xf32>
    %dot_general3A = arith.constant dense<0.000000e+00> : vector<4096x16xf32>
    %dot_general3A_37 = tpu.matmul %get3A_4, %select_n3A_36, %dot_general3A {dimension_numbers = #tpu.dot_dimension_numbers<[1], [0], [0], [1], [0, 0, 1, 1], [], []>, transpose_lhs_hint = false} : vector<4096x256xf32>, vector<256x16xf32>, vector<4096x16xf32> -> vector<4096x16xf32>
    %sub3A_38 = arith.constant 1.200000e+01 : f32
    %sub3A_39 = vector.broadcast %sub3A_38 : f32 to vector<4096x16xf32>
    %sub3A_40 = arith.subf %sub3A_39, %dot_general3A_37 : vector<4096x16xf32>
    %mul3A = arith.constant 1.000000e+00 : f32
    %mul3A_41 = vector.broadcast %mul3A : f32 to vector<4096x16xf32>
    %mul3A_42 = arith.mulf %sub3A_40, %mul3A_41 : vector<4096x16xf32>
    %reduce_max3A = arith.constant dense<0xFF800000> : vector<4096xf32>
    %reduce_max3A_43 = vector.multi_reduction <maximumf>, %mul3A_42, %reduce_max3A [1] : vector<4096x16xf32> to vector<4096xf32>
    %broadcast_in_dim3A_44 = vector.shape_cast %reduce_max3A_43 : vector<4096xf32> to vector<4096x1xf32>
    %sub3A_45 = vector.broadcast %broadcast_in_dim3A_44 : vector<4096x1xf32> to vector<4096x16xf32>
    %sub3A_46 = arith.subf %mul3A_42, %sub3A_45 : vector<4096x16xf32>
    %exp3A = math.exp %sub3A_46 : vector<4096x16xf32>
    %reduce_sum3A_47 = arith.constant dense<0.000000e+00> : vector<4096xf32>
    %reduce_sum3A_48 = vector.multi_reduction <add>, %exp3A, %reduce_sum3A_47 [1] : vector<4096x16xf32> to vector<4096xf32>
    %broadcast_in_dim3A_49 = vector.shape_cast %reduce_sum3A_48 : vector<4096xf32> to vector<4096x1xf32>
    %div3A_50 = vector.broadcast %broadcast_in_dim3A_49 : vector<4096x1xf32> to vector<4096x16xf32>
    %div3A_51 = arith.divf %exp3A, %div3A_50 : vector<4096x16xf32>
    %neg3A = arith.constant 0.000000e+00 : f32
    %neg3A_52 = vector.broadcast %neg3A : f32 to vector<4096x16xf32>
    %neg3A_53 = arith.subf %neg3A_52, %sub3A_40 : vector<4096x16xf32>
    %min3A = arith.constant 0.000000e+00 : f32
    %min3A_54 = vector.broadcast %min3A : f32 to vector<4096x16xf32>
    %min3A_55 = arith.minimumf %neg3A_53, %min3A_54 : vector<4096x16xf32>
    %abs3A = math.absf %neg3A_53 : vector<4096x16xf32>
    %neg3A_56 = arith.constant 0.000000e+00 : f32
    %neg3A_57 = vector.broadcast %neg3A_56 : f32 to vector<4096x16xf32>
    %neg3A_58 = arith.subf %neg3A_57, %abs3A : vector<4096x16xf32>
    %exp3A_59 = math.exp %neg3A_58 : vector<4096x16xf32>
    %add3A = arith.constant 1.000000e+00 : f32
    %add3A_60 = vector.broadcast %add3A : f32 to vector<4096x16xf32>
    %add3A_61 = arith.addf %add3A_60, %exp3A_59 : vector<4096x16xf32>
    %log3A = math.log %add3A_61 : vector<4096x16xf32>
    %sub3A_62 = arith.subf %min3A_55, %log3A : vector<4096x16xf32>
    %mul3A_63 = arith.mulf %div3A_51, %sub3A_62 : vector<4096x16xf32>
    %reduce_sum3A_64 = arith.constant dense<0.000000e+00> : vector<4096xf32>
    %reduce_sum3A_65 = vector.multi_reduction <add>, %mul3A_63, %reduce_sum3A_64 [1] : vector<4096x16xf32> to vector<4096xf32>
    %min3A_66 = arith.constant 0.000000e+00 : f32
    %min3A_67 = vector.broadcast %min3A_66 : f32 to vector<4096xf32>
    %min3A_68 = arith.minimumf %sub3A_7, %min3A_67 : vector<4096xf32>
    %abs3A_69 = math.absf %sub3A_7 : vector<4096xf32>
    %neg3A_70 = arith.constant 0.000000e+00 : f32
    %neg3A_71 = vector.broadcast %neg3A_70 : f32 to vector<4096xf32>
    %neg3A_72 = arith.subf %neg3A_71, %abs3A_69 : vector<4096xf32>
    %exp3A_73 = math.exp %neg3A_72 : vector<4096xf32>
    %add3A_74 = arith.constant 1.000000e+00 : f32
    %add3A_75 = vector.broadcast %add3A_74 : f32 to vector<4096xf32>
    %add3A_76 = arith.addf %add3A_75, %exp3A_73 : vector<4096xf32>
    %log3A_77 = math.log %add3A_76 : vector<4096xf32>
    %sub3A_78 = arith.subf %min3A_68, %log3A_77 : vector<4096xf32>
    %reduce_sum3A_79 = vector.shape_cast %sub3A_78 : vector<4096xf32> to vector<1x4096xf32>
    %reduce_sum3A_80 = arith.constant dense<0.000000e+00> : vector<1xf32>
    %reduce_sum3A_81 = vector.multi_reduction <add>, %reduce_sum3A_79, %reduce_sum3A_80 [1] : vector<1x4096xf32> to vector<1xf32>
    %reduce_sum3A_82 = vector.shape_cast %reduce_sum3A_81 : vector<1xf32> to vector<1x1xf32>
    %reduce_sum3A_83 = vector.extract %reduce_sum3A_82[0, 0] : f32 from vector<1x1xf32>
    %neg3A_84 = arith.constant 0.000000e+00 : f32
    %neg3A_85 = arith.subf %neg3A_84, %reduce_sum3A_83 : f32
    %div3A_86 = arith.constant 4.096000e+03 : f32
    %div3A_87 = arith.divf %neg3A_85, %div3A_86 : f32
    %reduce_sum3A_88 = vector.shape_cast %reduce_sum3A_65 : vector<4096xf32> to vector<1x4096xf32>
    %reduce_sum3A_89 = arith.constant dense<0.000000e+00> : vector<1xf32>
    %reduce_sum3A_90 = vector.multi_reduction <add>, %reduce_sum3A_88, %reduce_sum3A_89 [1] : vector<1x4096xf32> to vector<1xf32>
    %reduce_sum3A_91 = vector.shape_cast %reduce_sum3A_90 : vector<1xf32> to vector<1x1xf32>
    %reduce_sum3A_92 = vector.extract %reduce_sum3A_91[0, 0] : f32 from vector<1x1xf32>
    %neg3A_93 = arith.constant 0.000000e+00 : f32
    %neg3A_94 = arith.subf %neg3A_93, %reduce_sum3A_92 : f32
    %div3A_95 = arith.constant 4.096000e+03 : f32
    %div3A_96 = arith.divf %neg3A_94, %div3A_95 : f32
    %add3A_97 = arith.addf %div3A_87, %div3A_96 : f32
    %mul3A_98 = arith.constant 5.000000e-01 : f32
    %mul3A_99 = arith.mulf %add3A_97, %mul3A_98 : f32
    %swap3A = arith.constant 0 : index
    %swap3A_100 = arith.constant 0 : index
    %swap3A_101 = memref.load %arg2[%swap3A, %swap3A_100] : memref<1x1xf32, #tpu.memory_space<smem>>
    memref.store %mul3A_99, %arg2[%swap3A, %swap3A_100] : memref<1x1xf32, #tpu.memory_space<smem>>
    return
  }
}

</mosaic_0001>

<sc_bundles>
// kernel: kernel.4.cloned.1.call-start
scs
__scs_entry_jumppad:
0x0: {  	(pc) =	sbr.rel $0x88, $3  }
0x1: {  	(tag) =	ssettag $0x0;
	lr =	simm.s32 $0x1  }
0x2: {  	[smem:$0x3F9D] =	sst lr;
	_ =	strace $0xD0000000  }
0x3: {  	_ = 	snop  }
0x4: {  	_ = 	snop  }
0x5: {  	_ = 	snop  }
0x6: {  	_ = 	snop  }
0x7: {  	_ = 	snop  }
__scs_overlays_trampoline_lowered:
0x8: {  	[smem:$0x3FAC] =	sst s0  }
0x9: {  	[smem:$0x3FAD] =	sst s1  }
0xa: {  	[smem:$0x3FAE] =	sst s2  }
0xb: {  	[smem:$0x3FAF] =	sst s3  }
0xc: {  	[smem:$0x3FB0] =	sst s4  }
0xd: {  	[smem:$0x3FB1] =	sst s5  }
0xe: {  	[smem:$0x3FB2] =	sst s6  }
0xf: {  	[smem:$0x3FB3] =	sst s7  }
0x10: {  	[smem:$0x3FB4] =	sst s8  }
0x11: {  	[smem:$0x3FB5] =	sst s9;
	s0 =	simm.s32 @!p0 $0x0  }
0x12: {  	s1 =	sld [smem:$0x3F9B];
	s0 =	simm.s32 @p0 $0x1  }
0x13: {  	[smem:$0x3FB6] =	sst s0;
	s0 =	simm.s32 @!p1 $0x0  }
0x14: {  	s2 =	sld [smem:$0x3F9A];
	s0 =	simm.s32 @p1 $0x1  }
0x15: {  	[smem:$0x3FB7] =	sst s0;
	s0 =	simm.s32 @!p2 $0x0  }
0x16: {  	s3 =	sld [smem:$0x3FDB];
	s0 =	simm.s32 @p2 $0x1  }
0x17: {  	s4 =	simm.s32 $0x1BF5;
	[smem:$0x3FB9] =	sst s0  }
0x18: {  	s0 =	sld [smem:$0x3F9C];
	_ =	swait.ge [sflag:s4], $0x0  }
0x19: {  	s7 =	sld [smem:$0x3F9D]  }
0x1a: {  	s8 =	sadd.s32 $0xFFFFE003, lr  }
0x1b: {  	s9 =	sadd.s32 $0xFFFFFEF7, lr;
	s5 =	simm.s32 $0xFFFFFFFF;
	p2 =	slt.u32 s8, $0xFFFFF086  }
0x1c: {  	p1 =	slt.u32 s9, $0xF7A;
	s5 =	simm.s32 @!p2 $0x0  }
0x1d: {  	s5 =	simm.s32 @p1 $0x1;
	p0 =	seq.s32 s7, s2  }
0x1e: {  	s7 =	smul.u32 @!p0 $0xF7A, s2;
	p2 =	seq.s32 @!p0 s5, $0x0  }
0x1f: {  	s9 =	smul.u32 $0xF7A, s1;
	s8 =	simm.s32 @!p0 $0x1BF5;
	p2 =	por !p2, p0  }
0x20: {  	[sflag:s8] =	ssyncset.s32 @!p0 $0xFFFFF086;
	s6 =	sadd.s32 @!p0 s3, s7;
	s7 =	simm.s32 @!p0 $0x108  }
0x21: {  	s3 =	sadd.s32 s3, s9;
	s6 =	sadd.s32 @!p0 $0x88, s6;
	s7 =	simm.s32 @p2 $0x1082  }
0x22: {  	[simem:s7], [sflag:s8] =	dma.local @!p0 [hbm:s6], $0xF7A  }
0x23: {  	s9 =	sor.u32 $0xD0000000, s2;
	s6 =	simm.s32 $0x108;
	_ =	swait.ge @!p0 [sflag:s8], $0x0  }
0x24: {  	s3 =	sadd.s32 $0x88, s3;
	s6 =	simm.s32 @!p1 $0x1082;
	[sflag:s4] =	ssyncset.s32 $0xFFFFF086  }
0x25: {  	[simem:s6], [sflag:s4] =	dma.local [hbm:s3], $0xF7A  }
0x26: {  	[smem:$0x3F9D] =	sst s1;
	(tag) =	ssettag s2;
	_ =	strace s9  }
0x27: {  	s1 =	sld [smem:$0x3FAD]  }
0x28: {  	s2 =	sld [smem:$0x3FAE]  }
0x29: {  	s4 =	sld [smem:$0x3FB0]  }
0x2a: {  	p0 =	seq.s32 s5, $0x0;
	s5 =	sld [smem:$0x3FB1]  }
0x2b: {  	s6 =	sld [smem:$0x3FB2]  }
0x2c: {  	s7 =	sld [smem:$0x3FB3]  }
0x2d: {  	s3 =	simm.s32 $0x108;
	s8 =	sld [smem:$0x3FB4]  }
0x2e: {  	s3 =	simm.s32 @!p0 $0x1082;
	s9 =	sld [smem:$0x3FB5]  }
0x2f: {  	lr =	sadd.s32 s0, s3;
	s0 =	sld [smem:$0x3FAC]  }
0x30: {  	s3 =	sld [smem:$0x3FAF]  }
0x31: {  	[smem:$0x3FB8] =	sst s10  }
0x32: {  	s10 =	sld [smem:$0x3FB6];
	_ =	sdelay $0x3  }
0x33: {  	p0 =	seq.s32 s10, $0x1;
	s10 =	sld [smem:$0x3FB8];
	_ =	sdelay $0x3  }
0x34: {  	[smem:$0x3FB8] =	sst s10  }
0x35: {  	s10 =	sld [smem:$0x3FB7];
	_ =	sdelay $0x3  }
0x36: {  	p1 =	seq.s32 s10, $0x1;
	s10 =	sld [smem:$0x3FB8];
	_ =	sdelay $0x3  }
0x37: {  	[smem:$0x3FB8] =	sst s10  }
0x38: {  	s10 =	sld [smem:$0x3FB9]  }
0x39: {  	_ = 	snop;
	(pc) =	sbr.ind lr, $3  }
0x3a: {  	_ = 	snop  }
0x3b: {  	_ = 	snop  }
0x3c: {  	p2 =	seq.s32 s10, $0x1;
	s10 =	sld [smem:$0x3FB8]  }
0x3d: {  	_ =	shalt  }
0x3e: {  	_ =	shalt  }
0x3f: {  	_ =	shalt  }
0x40: {  	_ =	shalt  }
0x41: {  	_ =	shalt  }
0x42: {  	_ =	shalt  }
0x43: {  	_ =	shalt  }
0x44: {  	_ =	shalt  }
0x45: {  	_ =	shalt  }
0x46: {  	_ =	shalt  }
0x47: {  	_ =	shalt  }
0x48: {  	_ =	shalt  }
0x49: {  	_ =	shalt  }
0x4a: {  	_ =	shalt  }
0x4b: {  	_ =	shalt  }
0x4c: {  	_ =	shalt  }
0x4d: {  	_ =	shalt  }
0x4e: {  	_ =	shalt  }
0x4f: {  	_ =	shalt  }
0x50: {  	_ =	shalt  }
0x51: {  	_ =	shalt  }
0x52: {  	_ =	shalt  }
0x53: {  	_ =	shalt  }
0x54: {  	_ =	shalt  }
0x55: {  	_ =	shalt  }
0x56: {  	_ =	shalt  }
0x57: {  	_ =	shalt  }
0x58: {  	_ =	shalt  }
0x59: {  	_ =	shalt  }
0x5a: {  	_ =	shalt  }
0x5b: {  	_ =	shalt  }
0x5c: {  	_ =	shalt  }
0x5d: {  	_ =	shalt  }
0x5e: {  	_ =	shalt  }
0x5f: {  	_ =	shalt  }
0x60: {  	_ =	shalt  }
0x61: {  	_ =	shalt  }
0x62: {  	_ =	shalt  }
0x63: {  	_ =	shalt  }
0x64: {  	_ =	shalt  }
0x65: {  	_ =	shalt  }
0x66: {  	_ =	shalt  }
0x67: {  	_ =	shalt  }
0x68: {  	_ =	shalt  }
0x69: {  	_ =	shalt  }
0x6a: {  	_ =	shalt  }
0x6b: {  	_ =	shalt  }
0x6c: {  	_ =	shalt  }
0x6d: {  	_ =	shalt  }
0x6e: {  	_ =	shalt  }
0x6f: {  	_ =	shalt  }
0x70: {  	_ =	shalt  }
0x71: {  	_ =	shalt  }
0x72: {  	_ =	shalt  }
0x73: {  	_ =	shalt  }
0x74: {  	_ =	shalt  }
0x75: {  	_ =	shalt  }
0x76: {  	_ =	shalt  }
0x77: {  	_ =	shalt  }
0x78: {  	_ =	shalt  }
0x79: {  	_ =	shalt  }
0x7a: {  	_ =	shalt  }
0x7b: {  	_ =	shalt  }
0x7c: {  	_ =	shalt  }
0x7d: {  	_ =	shalt  }
0x7e: {  	_ =	shalt  }
0x7f: {  	_ =	shalt  }
0x80: {  	_ =	shalt  }
0x81: {  	_ =	shalt  }
0x82: {  	_ =	shalt  }
0x83: {  	_ =	shalt  }
0x84: {  	_ =	shalt  }
0x85: {  	_ =	shalt  }
0x86: {  	_ =	shalt  }
0x87: {  	_ =	shalt  }
.Lfunc_end0:
.L_simem_size_0:
called_computation_lowered:
.L_overlay_start_0:
0x88: {  	s2 =	sld [smem:$0x3FD9]  }
0x89: {  	s3 =	sld [smem:$0x3FFE];
	_ =	sdelay $0x1  }
0x8a: {  	s1 =	srdreg.scid  }
0x8b: {  	s0 =	sand.u32 $0x1, s1  }
0x8c: {  	s16 =	sshll.u32 s0, $0xA;
	s2 =	sadd.s32 s3, s2  }
0x8d: {  	s2 =	sadd.s32 s2, s16  }
0x8e: {  	[smem:$0x3FC4] =	sst s2  }
0x8f: {  	_ = 	snop  }
0x90: {  	(tm) =	ssettm $0x1  }
0x91: {  	s17 =	sld [smem:$0x3FFB];
	_ =	sdelay $0x3  }
0x92: {  	_ =	strace s17  }
0x93: {  	s2 =	sld [smem:$0x3FFC];
	_ =	sdelay $0x3  }
0x94: {  	_ =	strace s2  }
0x95: {  	s2 =	sld [smem:$0x3FFD];
	_ =	sdelay $0x3  }
0x96: {  	_ =	strace s2  }
0x97: {  	_ =	strace $0x8FFFFFFF  }
0x98: {  	s18 =	sld [smem:$0x3FDB];
	_ =	sdelay $0x1  }
0x99: {  	s19 =	simm.s32 $_scs_section_size  }
0x9a: {  	s4 =	simm.s32 $_size__tile_overlayer_lowered;
	s5 =	simm.s32 $_tile_overlayer_lowered  }
0x9b: {  	s22 =	simm.s32 $0x1BFF;
	s21 =	sshll.u32 s5, $0x1;
	s2 =	sadd.s32 s19, s18  }
0x9c: {  	s6 =	simm.s32 $0x0;
	s20 =	sshll.u32 s4, $0x1;
	s4 =	sadd.s32 s21, s2  }
0x9d: {  	[timem:s6], [sflag:s22] =	dma.local [hbm:s4], s20  }
0x9e: {  	_ =	swait.ge [sflag:s22], s20  }
0x9f: {  	s3 =	ssub.s32 $0x0, s20;
	[sflag:s22] =	ssyncset.done $0x0  }
0xa0: {  	[sflag:s22] =	ssyncadd.s32 s3;
	_ =	sdelay $0x1  }
0xa1: {  	s23 =	simm.s32 $0x1B8B  }
0xa2: {  	_ =	swait.ge [sflag:s23], $0x1  }
0xa3: {  	[sflag:s23] =	ssyncset.done $0x0  }
0xa4: {  	s25 =	simm.s32 $0x1B8E;
	s24 =	sld [smem:$0x3FFE];
	[sflag:s23] =	ssyncadd.s32 $0xFFFFFFFF  }
0xa5: {  	s26 =	simm.s32 $execute0_lowered;
	[smem:$0x3FD2] =	sst s25  }
0xa6: {  	s4 =	sshll.u32 s26, $0x1;
	_ =	strace $0x80000046;
	[dreg:$0x1] =	wrdreg $0xFFFFFFFF  }
0xa7: {  	s28 =	simm.s32 $_size_execute0_lowered;
	s2 =	sadd.s32 s2, s4;
	[dreg:$0x0] =	wrdreg $0x0  }
0xa8: {  	s4 =	sshll.u32 s28, $0x1;
	[dreg:$0x2] =	wrdreg s2  }
0xa9: {  	[dreg:$0x3] =	wrdreg s4  }
0xaa: {  	[dreg:$0x4] =	wrdreg $0xC0  }
0xab: {  	_ =	task [dreg:s6], $0x5FFFF  }
0xac: {  	[dreg:$0x1] =	wrdreg $0xFFFFFFFF  }
0xad: {  	[dreg:$0x0] =	wrdreg $0x60  }
0xae: {  	[dreg:$0x2] =	wrdreg s24  }
0xaf: {  	[dreg:$0x3] =	wrdreg $0x9  }
0xb0: {  	_ =	task.clear_ibuf [dreg:s6], $0x4FFFF;
	_ =	strace $0x90000046  }
0xb1: {  	s29 =	simm.s32 $0x9;
	_ =	strace $0x80000048  }
0xb2: {  	_ =	swait.ge [sflag:s29], $0x1  }
0xb3: {  	[sflag:s29] =	ssyncadd.s32 $0xFFFFFFFF  }
0xb4: {  	_ =	strace $0x90000048  }
0xb5: {  	_ =	sfence  }
0xb6: {  	s30 =	sld [smem:$0x0];
	_ =	sdelay $0x2  }
0xb7: {  	s31 =	sshll.u32 s1, $0xD;
	s1 =	sshrl.u32 s1, $0x2  }
0xb8: {  	s3 =	sand.u32 $0x4000, s31;
	s1 =	sadd.s32 s1, s30  }
0xb9: {  	s0 =	sor.u32 s3, s0;
	s1 =	sshll.u32 s1, $0x11  }
0xba: {  	s0 =	sor.u32 s1, s0  }
0xbb: {  	s0 =	sadd.s32 $0x8F2B, s0  }
0xbc: {  	[sflag:s0] =	ssyncadd.remote.s32 $0x1  }
0xbd: {  	_ =	sfence.sel $0xFFFF  }
0xbe: {  	[dreg:$0x0] =	wrdreg $0xFFFFFFFF;
	(pc) =	sbr.abs _section_cstart, $3  }
0xbf: {  	[dreg:$0x1] =	wrdreg $0xFFFFFFFF  }
0xc0: {  	_ =	task.clear_ibuf [dreg:s6], $0x2FFFF;
	_ =	strace $0x9FFFFFFF  }
0xc1: {  	(tm) =	ssettm $0x7FFFFFFF  }
tec
execute0_lowered:
.L_overlay_start_1:
0x0: {  	(tag) =	ssettag $0x1  }
0x1: {  	s0 =	rddreg [dreg:$0x0];
	s2 =	simm.s32 $0x0;
	s1 =	srdreg.scid  }
0x2: {  	s4 =	stileid.u32;
	s15 =	simm.s32 $0x2;
	s16 =	simm.s32 $0x80  }
0x3: {  	s17 =	simm.s32 $0x100;
	s18 =	simm.s32 $0x180;
	s19 =	simm.s32 $0x2180  }
0x4: {  	s20 =	simm.s32 $0x4180;
	s21 =	simm.s32 $0x1;
	s22 =	simm.s32 $0x6180  }
0x5: {  	s23 =	simm.s32 $0x6980;
	s24 =	simm.s32 $0x0;
	[smem:$0x7FF] =	sst s2  }
0x6: {  	s3 =	sadd.s32 $0xF43400, s0;
	s1 =	sand.u32 $0x1, s1;
	s6 =	sshll.u32 s4, $0x1  }
0x7: {  	s4 =	sadd.s32 $0x16E4600, s0;
	s5 =	sadd.s32 $0x1000, s0;
	s7 =	sadd.s32 $0x5400, s0  }
0x8: {  	_ =	strace $0x80000047;
	s9 =	sor.u32 s1, s6;
	s6 =	sadd.s32 $0x3200, s0  }
0x9: {  	s1 =	ssub.s32 $0x2, s1;
	s8 =	sshll.u32 s9, $0x8;
	s9 =	sshll.u32 s9, $0x4  }
0xa: {  	s11 =	sshrl.u32 s1, $0x1;
	s10 =	sadd.s32 s8, s0;
	s29 =	sadd.s32 s5, s9  }
0xb: {  	s8 =	sadd.s32 $0x9600, s0;
	s30 =	sadd.s32 s6, s9;
	[dreg:$0x2] =	wrdreg s29  }
0xc: {  	s28 =	ssub.s32 s1, s11;
	s31 =	sadd.s32 s7, s9;
	[dreg:$0x3] =	wrdreg s30  }
0xd: {  	[dreg:$0x4] =	wrdreg s31;
	s13 =	sadd.s32 $0x7600, s10;
	s14 =	smax.u32 s28, $0x1  }
.LBB2_1:
0xe: {  	s0 =	rddreg [dreg:$0x2]  }
0xf: {  	[tilespmem:s2], [sflag:$0x2] =	stream.linear.gather [hbm4b:s0+s2], $0x80, $0x38;
	[tilespmem:$0x7180] =	vst v63  }
0x10: {  	_ =	swait.ge [sflag:s15], $0x80  }
0x11: {  	[sflag:s15] =	ssyncset.done $0x0  }
0x12: {  	s29 =	rddreg [dreg:$0x3];
	[sflag:s15] =	ssyncadd.s32 $0xFFFFFF80  }
0x13: {  	[tilespmem:s16], [sflag:$0x2] =	stream.linear.gather [hbm4b:s29+s2], $0x80, $0x38;
	[tilespmem:$0x7180] =	vst v63  }
0x14: {  	_ =	swait.ge [sflag:s15], $0x80  }
0x15: {  	[sflag:s15] =	ssyncset.done $0x0  }
0x16: {  	s30 =	rddreg [dreg:$0x4];
	[sflag:s15] =	ssyncadd.s32 $0xFFFFFF80  }
0x17: {  	[tilespmem:s17], [sflag:$0x2] =	stream.linear.gather [hbm4b:s30+s2], $0x80, $0x38;
	[tilespmem:$0x7180] =	vst v63  }
0x18: {  	_ =	swait.ge [sflag:s15], $0x80  }
0x19: {  	[sflag:s15] =	ssyncset.done $0x0  }
0x1a: {  	[sflag:s15] =	ssyncadd.s32 $0xFFFFFF80  }
0x1b: {  	[tilespmem:s18], [sflag:$0x1] =	stream.indirect.gather [hbm4b:s3+s16], $0x40, s2, s16, $0xb8;
	[tilespmem:$0x7180] =	vst v63  }
0x1c: {  	_ = 	snop  }
0x1d: {  	[tilespmem:s19], [sflag:$0x1] =	stream.indirect.gather [hbm4b:s4+s16], $0x40, s16, s16, $0xb8;
	[tilespmem:$0x7180] =	vst v63  }
0x1e: {  	_ = 	snop  }
0x1f: {  	[tilespmem:s20], [sflag:$0x1] =	stream.indirect.gather [hbm4b:s3+s16], $0x40, s17, s16, $0xb8;
	[tilespmem:$0x7180] =	vst v63  }
0x20: {  	_ =	swait.ge [sflag:s21], $0x2000  }
0x21: {  	[sflag:s21] =	ssyncset.done $0x0  }
0x22: {  	[sflag:s21] =	ssyncadd.s32 $0xFFFFE000  }
0x23: {  	_ =	swait.ge [sflag:s21], $0x2000  }
0x24: {  	[sflag:s21] =	ssyncset.done $0x0  }
0x25: {  	[sflag:s21] =	ssyncadd.s32 $0xFFFFE000  }
0x26: {  	_ =	swait.ge [sflag:s21], $0x2000  }
0x27: {  	[sflag:s21] =	ssyncset.done $0x0  }
0x28: {  	s31 =	simm.s32 $0x0;
	[sflag:s21] =	ssyncadd.s32 $0xFFFFE000  }
0x29: {  	v0 =	vld [tilespmem:s31+$0x1B0]  }
0x2a: {  	v1 =	vld [tilespmem:s31+$0x4180]  }
0x2b: {  	v2 =	vld [tilespmem:s31+$0x1A0]  }
0x2c: {  	v3 =	vld [tilespmem:s31+$0x2180]  }
0x2d: {  	v4 =	vld [tilespmem:s31+$0x180]  }
0x2e: {  	v5 =	vld [tilespmem:s31+$0x190]  }
0x2f: {  	v6 =	vld [tilespmem:s31+$0x2190]  }
0x30: {  	v7 =	vld [tilespmem:s31+$0x21A0]  }
0x31: {  	v8 =	vld [tilespmem:s31+$0x4190]  }
0x32: {  	v9 =	vld [tilespmem:s31+$0x21B0]  }
0x33: {  	v10 =	vld [tilespmem:s31+$0x41A0]  }
0x34: {  	v3 =	vadd.f32 v3, v4;
	v4 =	vadd.f32 v6, v5  }
0x35: {  	v2 =	vadd.f32 v7, v2;
	v5 =	vld [tilespmem:s31+$0x41B0]  }
0x36: {  	v1 =	vsub.f32 v3, v1;
	v3 =	vsub.f32 v4, v8  }
0x37: {  	v0 =	vadd.f32 v9, v0  }
0x38: {  	v2 =	vsub.f32 v2, v10;
	v1 =	vand.u32 $0x7FFFFFFF, v1;
	v3 =	vand.u32 $0x7FFFFFFF, v3  }
0x39: {  	v1 =	vadd.f32 v3, v1  }
0x3a: {  	v2 =	vand.u32 $0x7FFFFFFF, v2;
	v0 =	vsub.f32 v0, v5  }
0x3b: {  	v1 =	vadd.f32 v2, v1  }
0x3c: {  	v0 =	vand.u32 $0x7FFFFFFF, v0  }
0x3d: {  	v0 =	vadd.f32 v0, v1;
	_ =	sdelay $0x1  }
0x3e: {  	s1 =	simm.s32 $0x40;
	[tilespmem:s22+$0x0] =	vst v0  }
0x3f: {  	v0 =	vld [tilespmem:s1+$0x1B0]  }
0x40: {  	v1 =	vld [tilespmem:s1+$0x4180]  }
0x41: {  	v2 =	vld [tilespmem:s1+$0x1A0]  }
0x42: {  	v3 =	vld [tilespmem:s1+$0x2180]  }
0x43: {  	v4 =	vld [tilespmem:s1+$0x180]  }
0x44: {  	s25 =	simm.s32 $0x6180;
	s0 =	simm.s32 $0x200;
	v5 =	vld [tilespmem:s1+$0x190]  }
.LBB2_2:
0x45: {  	p0 =	sne.s32 s0, $0x7F00;
	v6 =	vld [tilespmem:s1+$0x2190]  }
0x46: {  	v7 =	vld [tilespmem:s1+$0x21A0]  }
0x47: {  	v8 =	vld [tilespmem:s1+$0x4190]  }
0x48: {  	v9 =	vld [tilespmem:s1+$0x21B0]  }
0x49: {  	v10 =	vld [tilespmem:s1+$0x41A0]  }
0x4a: {  	v3 =	vadd.f32 v3, v4;
	v4 =	vadd.f32 v6, v5  }
0x4b: {  	v2 =	vadd.f32 v7, v2;
	v5 =	vld [tilespmem:s1+$0x41B0]  }
0x4c: {  	v1 =	vsub.f32 v3, v1;
	v3 =	vsub.f32 v4, v8  }
0x4d: {  	v0 =	vadd.f32 v9, v0  }
0x4e: {  	v1 =	vand.u32 $0x7FFFFFFF, v1;
	v3 =	vand.u32 $0x7FFFFFFF, v3;
	v2 =	vsub.f32 v2, v10  }
0x4f: {  	v1 =	vadd.f32 v3, v1  }
0x50: {  	v2 =	vand.u32 $0x7FFFFFFF, v2;
	v0 =	vsub.f32 v0, v5  }
0x51: {  	v1 =	vadd.f32 v2, v1  }
0x52: {  	v0 =	vand.u32 $0x7FFFFFFF, v0  }
0x53: {  	v0 =	vadd.f32 v0, v1  }
0x54: {  	s25 =	sadd.s32 $0x10, s25  }
0x55: {  	s1 =	sshra.s32 s0, $0x2;
	[tilespmem:s25+$0x0] =	vst v0  }
0x56: {  	v0 =	vld [tilespmem:s1+$0x1B0]  }
.Ltmp0:
0x57: {  	v1 =	vld [tilespmem:s1+$0x4180];
	(pc) =	sbr.rel @p0 .LBB2_2-.Ltmp0, $4  }
0x58: {  	v2 =	vld [tilespmem:s1+$0x1A0]  }
0x59: {  	v3 =	vld [tilespmem:s1+$0x2180]  }
0x5a: {  	v4 =	vld [tilespmem:s1+$0x180]  }
0x5b: {  	s0 =	sadd.s32 $0x100, s0;
	v5 =	vld [tilespmem:s1+$0x190]  }
0x5c: {  	v6 =	vld [tilespmem:s1+$0x2190]  }
0x5d: {  	v7 =	vld [tilespmem:s1+$0x21A0]  }
0x5e: {  	v8 =	vld [tilespmem:s1+$0x4190]  }
0x5f: {  	v9 =	vld [tilespmem:s1+$0x21B0]  }
0x60: {  	v10 =	vld [tilespmem:s1+$0x41A0]  }
0x61: {  	v3 =	vadd.f32 v3, v4;
	v61 =	vadd.f32 v6, v5  }
0x62: {  	v62 =	vld [tilespmem:s1+$0x41B0];
	v2 =	vadd.f32 v7, v2  }
0x63: {  	v1 =	vsub.f32 v3, v1;
	v63 =	vsub.f32 v61, v8  }
0x64: {  	v0 =	vadd.f32 v9, v0  }
0x65: {  	v1 =	vand.u32 $0x7FFFFFFF, v1;
	v2 =	vsub.f32 v2, v10;
	v3 =	vand.u32 $0x7FFFFFFF, v63  }
0x66: {  	v1 =	vadd.f32 v3, v1  }
0x67: {  	v0 =	vsub.f32 v0, v62;
	v2 =	vand.u32 $0x7FFFFFFF, v2  }
0x68: {  	v1 =	vadd.f32 v2, v1  }
0x69: {  	v0 =	vand.u32 $0x7FFFFFFF, v0  }
0x6a: {  	v0 =	vadd.f32 v0, v1  }
0x6b: {  	s0 =	sadd.s32 $0x10, s25  }
0x6c: {  	s25 =	simm.s32 $0x0;
	[tilespmem:s0+$0x0] =	vst v0  }
0x6d: {  	[hbm4b:s13+s25] =	stream.linear.scatter [tilespmem:s22], [sflag:$0x2], $0x800, $0x38;
	[tilespmem:$0x7180] =	vst v63  }
0x6e: {  	_ =	swait.ge [sflag:s15], $0x800  }
0x6f: {  	[sflag:s15] =	ssyncset.done $0x0  }
0x70: {  	s26 =	simm.s32 $0x0;
	[sflag:s15] =	ssyncadd.s32 $0xFFFFF800  }
.LBB2_4:
0x71: {  	s28 =	sor.u32 s9, s26  }
0x72: {  	s0 =	sshll.u32 s28, $0x4  }
0x73: {  	s0 =	sadd.s32 $0x200, s0  }
0x74: {  	s1 =	sadd.s32 s5, s0  }
0x75: {  	[tilespmem:s25], [sflag:$0x2] =	stream.linear.gather [hbm4b:s1+s25], $0x80, $0x38;
	[tilespmem:$0x7180] =	vst v63  }
0x76: {  	_ =	swait.ge [sflag:s15], $0x80  }
0x77: {  	[sflag:s15] =	ssyncset.done $0x0  }
0x78: {  	s10 =	sadd.s32 s6, s0;
	[sflag:s15] =	ssyncadd.s32 $0xFFFFFF80  }
0x79: {  	[tilespmem:s16], [sflag:$0x2] =	stream.linear.gather [hbm4b:s10+s25], $0x80, $0x38;
	[tilespmem:$0x7180] =	vst v63  }
0x7a: {  	_ =	swait.ge [sflag:s15], $0x80  }
0x7b: {  	[sflag:s15] =	ssyncset.done $0x0  }
0x7c: {  	s0 =	sadd.s32 s7, s0;
	[sflag:s15] =	ssyncadd.s32 $0xFFFFFF80  }
0x7d: {  	[tilespmem:s17], [sflag:$0x2] =	stream.linear.gather [hbm4b:s0+s25], $0x80, $0x38;
	[tilespmem:$0x7180] =	vst v63  }
0x7e: {  	_ =	swait.ge [sflag:s15], $0x80  }
0x7f: {  	[sflag:s15] =	ssyncset.done $0x0  }
0x80: {  	[sflag:s15] =	ssyncadd.s32 $0xFFFFFF80  }
0x81: {  	[tilespmem:s18], [sflag:$0x1] =	stream.indirect.gather [hbm4b:s3+s16], $0x40, s25, s16, $0xb8;
	[tilespmem:$0x7180] =	vst v63  }
0x82: {  	_ = 	snop  }
0x83: {  	[tilespmem:s19], [sflag:$0x1] =	stream.indirect.gather [hbm4b:s4+s16], $0x40, s16, s16, $0xb8;
	[tilespmem:$0x7180] =	vst v63  }
0x84: {  	_ = 	snop  }
0x85: {  	[tilespmem:s20], [sflag:$0x1] =	stream.indirect.gather [hbm4b:s3+s16], $0x40, s17, s16, $0xb8;
	[tilespmem:$0x7180] =	vst v63  }
0x86: {  	_ =	swait.ge [sflag:s21], $0x2000  }
0x87: {  	[sflag:s21] =	ssyncset.done $0x0  }
0x88: {  	[sflag:s21] =	ssyncadd.s32 $0xFFFFE000  }
0x89: {  	_ =	swait.ge [sflag:s21], $0x2000  }
0x8a: {  	[sflag:s21] =	ssyncset.done $0x0  }
0x8b: {  	[sflag:s21] =	ssyncadd.s32 $0xFFFFE000  }
0x8c: {  	_ =	swait.ge [sflag:s21], $0x2000  }
0x8d: {  	[sflag:s21] =	ssyncset.done $0x0  }
0x8e: {  	s11 =	simm.s32 $0x1A0;
	[sflag:s21] =	ssyncadd.s32 $0xFFFFE000  }
0x8f: {  	s12 =	simm.s32 $0x41A0;
	v0 =	vld [tilespmem:s11+$0x10]  }
0x90: {  	v1 =	vld [tilespmem:s12+$0xFFFFFFE0]  }
0x91: {  	s10 =	simm.s32 $0x21A0;
	v2 =	vld [tilespmem:s11+$0x0]  }
0x92: {  	v3 =	vld [tilespmem:s10+$0xFFFFFFE0]  }
0x93: {  	v4 =	vld [tilespmem:s11+$0xFFFFFFE0]  }
0x94: {  	v5 =	vld [tilespmem:s11+$0xFFFFFFF0]  }
0x95: {  	v6 =	vld [tilespmem:s10+$0xFFFFFFF0]  }
0x96: {  	v7 =	vld [tilespmem:s10+$0x0]  }
0x97: {  	v8 =	vld [tilespmem:s12+$0xFFFFFFF0]  }
0x98: {  	v9 =	vld [tilespmem:s10+$0x10]  }
0x99: {  	v10 =	vld [tilespmem:s12+$0x0]  }
0x9a: {  	v3 =	vadd.f32 v3, v4;
	v4 =	vadd.f32 v6, v5  }
0x9b: {  	v2 =	vadd.f32 v7, v2;
	v5 =	vld [tilespmem:s12+$0x10]  }
0x9c: {  	v1 =	vsub.f32 v3, v1;
	v3 =	vsub.f32 v4, v8  }
0x9d: {  	v0 =	vadd.f32 v9, v0  }
0x9e: {  	v2 =	vsub.f32 v2, v10;
	v1 =	vand.u32 $0x7FFFFFFF, v1;
	v3 =	vand.u32 $0x7FFFFFFF, v3  }
0x9f: {  	v1 =	vadd.f32 v3, v1  }
0xa0: {  	v2 =	vand.u32 $0x7FFFFFFF, v2;
	v0 =	vsub.f32 v0, v5  }
0xa1: {  	v1 =	vadd.f32 v2, v1  }
0xa2: {  	s11 =	sand.u32 $0x1C00, s25;
	v0 =	vand.u32 $0x7FFFFFFF, v0  }
0xa3: {  	s0 =	sshrl.u32 s11, $0x2;
	s12 =	sand.u32 $0xF0, s25;
	v0 =	vadd.f32 v0, v1  }
0xa4: {  	s0 =	sor.u32 s12, s0  }
0xa5: {  	[tilespmem:s0+$0x6980] =	vst v0;
	s0 =	simm.s32 $0x1E0  }
0xa6: {  	s31 =	simm.s32 $0x41E0;
	v0 =	vld [tilespmem:s0+$0x10]  }
0xa7: {  	v1 =	vld [tilespmem:s31+$0xFFFFFFE0]  }
0xa8: {  	s1 =	simm.s32 $0x21E0;
	v2 =	vld [tilespmem:s0+$0x0]  }
0xa9: {  	v3 =	vld [tilespmem:s1+$0xFFFFFFE0]  }
0xaa: {  	v4 =	vld [tilespmem:s0+$0xFFFFFFE0]  }
0xab: {  	v5 =	vld [tilespmem:s0+$0xFFFFFFF0]  }
0xac: {  	s29 =	simm.s32 $0x10;
	s30 =	simm.s32 $0x0;
	s10 =	simm.s32 $0x20;
	v6 =	vld [tilespmem:s1+$0xFFFFFFF0]  }
.LBB2_5:
0xad: {  	p0 =	sne.s32 s10, $0x7F0;
	v7 =	vld [tilespmem:s1+$0x0]  }
0xae: {  	v8 =	vld [tilespmem:s31+$0xFFFFFFF0]  }
0xaf: {  	v9 =	vld [tilespmem:s1+$0x10]  }
0xb0: {  	v10 =	vld [tilespmem:s31+$0x0]  }
0xb1: {  	v3 =	vadd.f32 v3, v4;
	v4 =	vadd.f32 v6, v5  }
0xb2: {  	v2 =	vadd.f32 v7, v2;
	v5 =	vld [tilespmem:s31+$0x10]  }
0xb3: {  	v1 =	vsub.f32 v3, v1;
	v3 =	vsub.f32 v4, v8  }
0xb4: {  	v0 =	vadd.f32 v9, v0  }
0xb5: {  	v1 =	vand.u32 $0x7FFFFFFF, v1;
	v3 =	vand.u32 $0x7FFFFFFF, v3;
	v2 =	vsub.f32 v2, v10  }
0xb6: {  	v1 =	vadd.f32 v3, v1  }
0xb7: {  	v2 =	vand.u32 $0x7FFFFFFF, v2;
	v0 =	vsub.f32 v0, v5  }
0xb8: {  	s30 =	sadd.s32 $0x40, s30;
	v1 =	vadd.f32 v2, v1  }
0xb9: {  	s11 =	sand.u32 $0x1C00, s30;
	v0 =	vand.u32 $0x7FFFFFFF, v0  }
0xba: {  	s12 =	sand.u32 $0xF0, s29;
	s29 =	smov.u32 s10;
	s11 =	sshrl.u32 s11, $0x2;
	v0 =	vadd.f32 v0, v1  }
0xbb: {  	s11 =	sor.u32 s12, s11  }
0xbc: {  	s0 =	sadd.s32 $0x40, s0;
	[tilespmem:s11+$0x6980] =	vst v0  }
0xbd: {  	s31 =	sadd.s32 $0x40, s31;
	v0 =	vld [tilespmem:s0+$0x10]  }
0xbe: {  	v1 =	vld [tilespmem:s31+$0xFFFFFFE0]  }
.Ltmp1:
0xbf: {  	s1 =	sadd.s32 $0x40, s1;
	v2 =	vld [tilespmem:s0+$0x0];
	(pc) =	sbr.rel @p0 .LBB2_5-.Ltmp1, $4  }
0xc0: {  	v3 =	vld [tilespmem:s1+$0xFFFFFFE0]  }
0xc1: {  	v4 =	vld [tilespmem:s0+$0xFFFFFFE0]  }
0xc2: {  	v5 =	vld [tilespmem:s0+$0xFFFFFFF0]  }
0xc3: {  	s10 =	sadd.s32 $0x10, s10;
	v6 =	vld [tilespmem:s1+$0xFFFFFFF0]  }
0xc4: {  	v7 =	vld [tilespmem:s1+$0x0]  }
0xc5: {  	v8 =	vld [tilespmem:s31+$0xFFFFFFF0]  }
0xc6: {  	v9 =	vld [tilespmem:s1+$0x10]  }
0xc7: {  	v10 =	vld [tilespmem:s31+$0x0];
	v3 =	vadd.f32 v3, v4  }
0xc8: {  	v61 =	vadd.f32 v6, v5  }
0xc9: {  	v62 =	vld [tilespmem:s31+$0x10];
	v1 =	vsub.f32 v3, v1  }
0xca: {  	v2 =	vadd.f32 v7, v2;
	v63 =	vsub.f32 v61, v8  }
0xcb: {  	v0 =	vadd.f32 v9, v0  }
0xcc: {  	v1 =	vand.u32 $0x7FFFFFFF, v1;
	v2 =	vsub.f32 v2, v10;
	v3 =	vand.u32 $0x7FFFFFFF, v63  }
0xcd: {  	v1 =	vadd.f32 v3, v1  }
0xce: {  	v0 =	vsub.f32 v0, v62;
	v2 =	vand.u32 $0x7FFFFFFF, v2  }
0xcf: {  	s0 =	sadd.s32 $0x40, s30;
	v1 =	vadd.f32 v2, v1  }
0xd0: {  	s0 =	sand.u32 $0x1C00, s0;
	v0 =	vand.u32 $0x7FFFFFFF, v0  }
0xd1: {  	s29 =	sand.u32 $0xF0, s29;
	s26 =	sadd.s32 $0x1, s26;
	s0 =	sshrl.u32 s0, $0x2;
	v0 =	vadd.f32 v0, v1  }
0xd2: {  	s30 =	sshll.u32 s28, $0x8;
	p0 =	sne.s32 s26, $0x10;
	s0 =	sor.u32 s29, s0  }
.Ltmp2:
0xd3: {  	s31 =	sadd.s32 s8, s30;
	[tilespmem:s0+$0x6980] =	vst v0;
	(pc) =	sbr.rel @p0 .LBB2_4-.Ltmp2, $4  }
0xd4: {  	[hbm4b:s31+s2] =	stream.linear.scatter [tilespmem:s23], [sflag:$0x2], $0x800, $0x38;
	[tilespmem:$0x7180] =	vst v63  }
0xd5: {  	_ =	swait.ge [sflag:s15], $0x800  }
0xd6: {  	[sflag:s15] =	ssyncset.done $0x0  }
0xd7: {  	[sflag:s15] =	ssyncadd.s32 $0xFFFFF800  }
0xd8: {  	s24 =	sadd.s32 $0x1, s24  }
0xd9: {  	p0 =	sne.s32 s24, s14  }
.Ltmp3:
0xda: {  	_ = 	snop;
	(pc) =	sbr.rel @p0 .LBB2_1-.Ltmp3, $1  }
0xdb: {  	_ =	sdelay $0x3  }
0xdc: {  	_ =	sfence.sel $0x180000  }
0xdd: {  	[bflag:$0x0] =	sbarrier.arrive $0xFFFF  }
0xde: {  	_ =	strace $0x90000047  }
0xdf: {  	s0 =	stileid.u32;
	[bflag:$0x2] =	sbarrier.arrive $0xFFFF  }
0xe0: {  	p0 =	sne.s32 s0, $0x0;
	s0 =	rddreg [dreg:$0x1]  }
0xe1: {  	s0 =	sadd.s32 @!p0 $0x100000, s0  }
0xe2: {  	[sflag:s0] =	ssyncadd.tile.s32 @!p0 $0x1;
	_ =	shalt  }
.Lfunc_end2:
_tile_overlayer_lowered:
.L_overlay_start_2:
0xe3: {  	(tag) =	ssettag $0x2  }
0xe4: {  	s0 =	rddreg [dreg:$0x0];
	s2 =	stileid.u32  }
0xe5: {  	s1 =	rddreg [dreg:$0x1];
	p0 =	sne.s32 s2, $0x0  }
0xe6: {  	s3 =	rddreg [dreg:$0x2];
	[bflag:$0x3] =	sbarrier.arrive $0xFFFF;
	s2 =	simm.s32 @!p0 $0x1C02  }
0xe7: {  	[timem:s3], [sflag:s2] =	dma.local @!p0 [hbm:s0], s1  }
0xe8: {  	s0 =	simm.s32 @!p0 $0x2  }
0xe9: {  	_ =	swait.ge @!p0 [sflag:s0], s1  }
0xea: {  	s1 =	ssub.s32 @!p0 $0x0, s1;
	[sflag:s0] =	ssyncset.done @!p0 $0x0  }
0xeb: {  	[sflag:s0] =	ssyncadd.s32 @!p0 s1  }
0xec: {  	[bflag:$0x3] =	sbarrier.arrive $0xFFFF  }
0xed: {  	_ =	shalt  }

</sc_bundles>
